<compile_context>
chip_gen: v7x
topology: tpu7x:2x2x1
jax: 0.10.2.dev20260603
libtpu: 0.0.44.dev20260713+nightly
codegen_flags: <defaults>
</compile_context>

<pallas_src>
import functools
import jax
import jax.numpy as jnp
from jax import lax
from jax.experimental import pallas as pl
from jax.experimental.pallas import tpu as pltpu
from jax.experimental.pallas import tpu_sc as plsc

D = 64
NC = 2
NS = 16
NW = NC * NS
CHUNK = 512
M = 3
H = 1


def _embedding_body(x_hbm, w_hbm, out_hbm, idx_v, rows_v, gsem, ssem):
    wid = lax.axis_index("s") * NC + lax.axis_index("c")
    n = idx_v.shape[0]
    base = wid * n
    pltpu.sync_copy(x_hbm.at[pl.ds(base, n)], idx_v)

    def gather(slot, chunk):
        return pltpu.make_async_copy(
            w_hbm.at[idx_v.at[chunk]], rows_v.at[slot], gsem.at[slot])

    def store(slot, chunk):
        return pltpu.make_async_copy(
            rows_v.at[slot], out_hbm.at[base + chunk], ssem.at[slot])

    def turn(i, s_ahead, s_cur, ahead_live, drain_live):
        if drain_live:
            store(s_ahead, i + H - M).wait()
        if ahead_live:
            gather(s_ahead, i + H).start()
        gather(s_cur, i).wait()
        store(s_cur, i).start()

    for j in range(H):
        gather(j % M, j).start()

    mid0 = M - H
    mid_n = ((n - H) - mid0) // M * M

    for i in range(mid0):
        turn(i, (i + H) % M, i % M, True, i + H >= M)

    def body(k, _):
        first = mid0 + k * M
        for t in range(M):
            s = (mid0 + t) % M
            turn(first + t, (s + H) % M, s, True, True)
        return _

    lax.fori_loop(0, mid_n // M, body, None)

    for i in range(mid0 + mid_n, n):
        live = i + H < n
        turn(i, (i + H) % M, i % M, live, live and i + H >= M)

    for c in range(n - M, n):
        store(c % M, c).wait()


def _make_call(n_chunks):
    chunks_per_w = n_chunks // NW
    mesh = plsc.VectorSubcoreMesh(core_axis_name="c", subcore_axis_name="s")
    return pl.kernel(
        _embedding_body,
        out_type=jax.ShapeDtypeStruct((n_chunks, CHUNK, D), jnp.float32),
        mesh=mesh,
        scratch_types=[
            pltpu.VMEM((chunks_per_w, CHUNK), jnp.int32),
            pltpu.VMEM((M, CHUNK, D), jnp.float32),
            pltpu.SemaphoreType.DMA((M,)),
            pltpu.SemaphoreType.DMA((M,)),
        ],
        compiler_params=pltpu.CompilerParams(use_tc_tiling_on_sc=False),
    )


@jax.jit
def kernel(x, weight):
    s0, s1 = x.shape
    n = s0 * s1
    assert n % (NW * CHUNK) == 0
    xc = x.astype(jnp.int32).reshape(n // CHUNK, CHUNK)
    out = _make_call(n // CHUNK)(xc, weight)
    return out.reshape(s0, s1, D)

# --- scband reference (transcript-rebuilt; emitter-appended) ---
"""Pipeline reference for scband-embedding-66769561584160 (READ-ONLY COPY).

The authoritative reference and input builder live on the scoring server;
editing this copy changes nothing except your own understanding.
"""

import jax, jax.numpy as jnp
import numpy as np

VOCAB = 1000000
D_MODEL = 64

def setup_inputs(seed: int = 0) -> dict:
    key = jax.random.key(seed)
    k_idx, k_w = jax.random.split(key)
    x = jax.random.randint(k_idx, (4096, 200), 0, VOCAB, dtype=jnp.int64 if jax.config.jax_enable_x64 else jnp.int32)
    weight = jax.random.normal(k_w, (VOCAB, D_MODEL), dtype=jnp.float32)
    return {"x": x, "weight": weight}

def reference(x, weight):
    # nn.Embedding forward: row gather from the embedding table
    return jnp.take(weight, x, axis=0)

if __name__ == "__main__":
    import jax
    _d = setup_inputs()
    print(jax.jit(kernel)(*tuple(_d.values())))

</pallas_src>

<mosaic_0001>
#map = affine_map<(d0, d1) -> (0, 0)>
#map1 = affine_map<(d0, d1) -> (0, 0, 0)>
module attributes {stable_mosaic.version = 14 : i64} {
  func.func @_embedding_body(%arg0: i32, %arg1: i32, %arg2: memref<1600x512xi32, #tpu.memory_space<hbm>>, %arg3: memref<1000000x64xf32, #tpu.memory_space<hbm>>, %arg4: memref<1600x512x64xf32, #tpu.memory_space<hbm>>, %arg5: memref<50x512xi32, #tpu.memory_space<vmem>>, %arg6: memref<3x512x64xf32, #tpu.memory_space<vmem>>, %arg7: memref<3x!tpu.dma_semaphore, #tpu.memory_space<semaphore_mem>>, %arg8: memref<3x!tpu.dma_semaphore, #tpu.memory_space<semaphore_mem>>) attributes {dimension_semantics = [#tpu.dimension_semantics<core_parallel>, #tpu.dimension_semantics<subcore_parallel>], iteration_bounds = array<i64: 2, 16>, scalar_prefetch = 0 : i64, scratch_operands = 4 : i64, tpu.core_type = #tpu.core_type<sc_vector_subcore>, window_params = [{transform_indices = #map}, {transform_indices = #map}, {transform_indices = #map1}]} {
    %mul3A = arith.constant 2 : i32
    %mul3A_0 = arith.muli %arg1, %mul3A : i32
    %add3A = arith.addi %mul3A_0, %arg0 : i32
    %mul3A_1 = arith.constant 50 : i32
    %mul3A_2 = arith.muli %add3A, %mul3A_1 : i32
    "tpu.region"() ({
      %run_scoped3A = tpu.sem_alloc : memref<!tpu.dma_semaphore, #tpu.memory_space<semaphore_mem>>
      %dma_start3A_375 = arith.constant 0 : i32
      %dma_start3A_376 = tpu.memref_slice %arg2[%mul3A_2, %dma_start3A_375] : memref<1600x512xi32, #tpu.memory_space<hbm>> -> memref<50x512xi32, #tpu.memory_space<hbm>>
      %dma_start3A_377 = arith.constant 0 : i32
      %dma_start3A_378 = tpu.memref_slice %arg2[%mul3A_2, %dma_start3A_377] : memref<1600x512xi32, #tpu.memory_space<hbm>> -> memref<50x512xi32, #tpu.memory_space<hbm>>
      tpu.enqueue_dma source(%dma_start3A_378 : memref<50x512xi32, #tpu.memory_space<hbm>>) target(%arg5 : memref<50x512xi32, #tpu.memory_space<vmem>>) target_semaphore(%run_scoped3A : memref<!tpu.dma_semaphore, #tpu.memory_space<semaphore_mem>>)
      %dma_wait3A_379 = arith.constant 0 : i32
      %dma_wait3A_380 = tpu.memref_slice %arg2[%mul3A_2, %dma_wait3A_379] : memref<1600x512xi32, #tpu.memory_space<hbm>> -> memref<50x512xi32, #tpu.memory_space<hbm>>
      %dma_wait3A_381 = arith.constant 0 : i32
      %dma_wait3A_382 = tpu.memref_slice %arg2[%mul3A_2, %dma_wait3A_381] : memref<1600x512xi32, #tpu.memory_space<hbm>> -> memref<50x512xi32, #tpu.memory_space<hbm>>
      tpu.wait_dma2 semaphore(%run_scoped3A : memref<!tpu.dma_semaphore, #tpu.memory_space<semaphore_mem>>) src(%dma_wait3A_382 : memref<50x512xi32, #tpu.memory_space<hbm>>) dst(%arg5 : memref<50x512xi32, #tpu.memory_space<vmem>>)
      tpu.yield
    }) : () -> ()
    %dma_start3A = arith.constant 0 : i32
    %dma_start3A_3 = arith.constant 0 : i32
    %dma_start3A_4 = arith.constant 0 : i32
    %dma_start3A_5 = arith.constant 0 : i32
    %dma_start3A_6 = arith.constant 0 : i32
    %dma_start3A_7 = tpu.memref_slice %arg6[%dma_start3A_3, %dma_start3A_5, %dma_start3A_6] : memref<3x512x64xf32, #tpu.memory_space<vmem>> -> memref<1x512x64xf32, #tpu.memory_space<vmem>>
    %dma_start3A_8 = tpu.memref_squeeze %dma_start3A_7 : memref<1x512x64xf32, #tpu.memory_space<vmem>> -> memref<512x64xf32, #tpu.memory_space<vmem>>
    %dma_start3A_9 = arith.constant 0 : i32
    %dma_start3A_10 = tpu.memref_slice %arg5[%dma_start3A, %dma_start3A_9] : memref<50x512xi32, #tpu.memory_space<vmem>> -> memref<1x512xi32, #tpu.memory_space<vmem>>
    %dma_start3A_11 = tpu.memref_squeeze %dma_start3A_10 : memref<1x512xi32, #tpu.memory_space<vmem>> -> memref<512xi32, #tpu.memory_space<vmem>>
    %dma_start3A_12 = arith.constant 0 : i32
    %dma_start3A_13 = arith.constant 0 : i32
    %dma_start3A_14 = tpu.memref_slice %arg3[%dma_start3A_12, %dma_start3A_13] : memref<1000000x64xf32, #tpu.memory_space<hbm>> -> memref<1000000x64xf32, #tpu.memory_space<hbm>>
    %dma_start3A_15 = tpu.memref_slice %arg7[%dma_start3A_4] : memref<3x!tpu.dma_semaphore, #tpu.memory_space<semaphore_mem>> -> memref<1x!tpu.dma_semaphore, #tpu.memory_space<semaphore_mem>>
    %dma_start3A_16 = tpu.memref_squeeze %dma_start3A_15 : memref<1x!tpu.dma_semaphore, #tpu.memory_space<semaphore_mem>> -> memref<!tpu.dma_semaphore, #tpu.memory_space<semaphore_mem>>
    tpu.enqueue_indirect_dma source(%dma_start3A_14 : memref<1000000x64xf32, #tpu.memory_space<hbm>>) target(%dma_start3A_8 : memref<512x64xf32, #tpu.memory_space<vmem>>) offsets(%dma_start3A_11 : memref<512xi32, #tpu.memory_space<vmem>>) semaphore(%dma_start3A_16 : memref<!tpu.dma_semaphore, #tpu.memory_space<semaphore_mem>>)
    %dma_start3A_17 = arith.constant 1 : i32
    %dma_start3A_18 = arith.constant 1 : i32
    %dma_start3A_19 = arith.constant 1 : i32
    %dma_start3A_20 = arith.constant 0 : i32
    %dma_start3A_21 = arith.constant 0 : i32
    %dma_start3A_22 = tpu.memref_slice %arg6[%dma_start3A_18, %dma_start3A_20, %dma_start3A_21] : memref<3x512x64xf32, #tpu.memory_space<vmem>> -> memref<1x512x64xf32, #tpu.memory_space<vmem>>
    %dma_start3A_23 = tpu.memref_squeeze %dma_start3A_22 : memref<1x512x64xf32, #tpu.memory_space<vmem>> -> memref<512x64xf32, #tpu.memory_space<vmem>>
    %dma_start3A_24 = arith.constant 0 : i32
    %dma_start3A_25 = tpu.memref_slice %arg5[%dma_start3A_17, %dma_start3A_24] : memref<50x512xi32, #tpu.memory_space<vmem>> -> memref<1x512xi32, #tpu.memory_space<vmem>>
    %dma_start3A_26 = tpu.memref_squeeze %dma_start3A_25 : memref<1x512xi32, #tpu.memory_space<vmem>> -> memref<512xi32, #tpu.memory_space<vmem>>
    %dma_start3A_27 = arith.constant 0 : i32
    %dma_start3A_28 = arith.constant 0 : i32
    %dma_start3A_29 = tpu.memref_slice %arg3[%dma_start3A_27, %dma_start3A_28] : memref<1000000x64xf32, #tpu.memory_space<hbm>> -> memref<1000000x64xf32, #tpu.memory_space<hbm>>
    %dma_start3A_30 = tpu.memref_slice %arg7[%dma_start3A_19] : memref<3x!tpu.dma_semaphore, #tpu.memory_space<semaphore_mem>> -> memref<1x!tpu.dma_semaphore, #tpu.memory_space<semaphore_mem>>
    %dma_start3A_31 = tpu.memref_squeeze %dma_start3A_30 : memref<1x!tpu.dma_semaphore, #tpu.memory_space<semaphore_mem>> -> memref<!tpu.dma_semaphore, #tpu.memory_space<semaphore_mem>>
    tpu.enqueue_indirect_dma source(%dma_start3A_29 : memref<1000000x64xf32, #tpu.memory_space<hbm>>) target(%dma_start3A_23 : memref<512x64xf32, #tpu.memory_space<vmem>>) offsets(%dma_start3A_26 : memref<512xi32, #tpu.memory_space<vmem>>) semaphore(%dma_start3A_31 : memref<!tpu.dma_semaphore, #tpu.memory_space<semaphore_mem>>)
    %dma_wait3A = arith.constant 0 : i32
    %dma_wait3A_32 = arith.constant 0 : i32
    %dma_wait3A_33 = arith.constant 0 : i32
    %dma_wait3A_34 = arith.constant 0 : i32
    %dma_wait3A_35 = arith.constant 0 : i32
    %dma_wait3A_36 = tpu.memref_slice %arg6[%dma_wait3A_32, %dma_wait3A_34, %dma_wait3A_35] : memref<3x512x64xf32, #tpu.memory_space<vmem>> -> memref<1x512x64xf32, #tpu.memory_space<vmem>>
    %dma_wait3A_37 = tpu.memref_squeeze %dma_wait3A_36 : memref<1x512x64xf32, #tpu.memory_space<vmem>> -> memref<512x64xf32, #tpu.memory_space<vmem>>
    %dma_wait3A_38 = arith.constant 0 : i32
    %dma_wait3A_39 = tpu.memref_slice %arg5[%dma_wait3A, %dma_wait3A_38] : memref<50x512xi32, #tpu.memory_space<vmem>> -> memref<1x512xi32, #tpu.memory_space<vmem>>
    %dma_wait3A_40 = tpu.memref_squeeze %dma_wait3A_39 : memref<1x512xi32, #tpu.memory_space<vmem>> -> memref<512xi32, #tpu.memory_space<vmem>>
    %dma_wait3A_41 = arith.constant 0 : i32
    %dma_wait3A_42 = arith.constant 0 : i32
    %dma_wait3A_43 = tpu.memref_slice %arg3[%dma_wait3A_41, %dma_wait3A_42] : memref<1000000x64xf32, #tpu.memory_space<hbm>> -> memref<1000000x64xf32, #tpu.memory_space<hbm>>
    %dma_wait3A_44 = tpu.memref_slice %arg7[%dma_wait3A_33] : memref<3x!tpu.dma_semaphore, #tpu.memory_space<semaphore_mem>> -> memref<1x!tpu.dma_semaphore, #tpu.memory_space<semaphore_mem>>
    %dma_wait3A_45 = tpu.memref_squeeze %dma_wait3A_44 : memref<1x!tpu.dma_semaphore, #tpu.memory_space<semaphore_mem>> -> memref<!tpu.dma_semaphore, #tpu.memory_space<semaphore_mem>>
    tpu.wait_indirect_dma semaphore(%dma_wait3A_45 : memref<!tpu.dma_semaphore, #tpu.memory_space<semaphore_mem>>) src(%dma_wait3A_43 : memref<1000000x64xf32, #tpu.memory_space<hbm>>) dst(%dma_wait3A_37 : memref<512x64xf32, #tpu.memory_space<vmem>>)
    %add3A_46 = arith.constant 0 : i32
    %add3A_47 = arith.addi %mul3A_2, %add3A_46 : i32
    %dma_start3A_48 = arith.constant 0 : i32
    %dma_start3A_49 = arith.constant 0 : i32
    %dma_start3A_50 = arith.constant 0 : i32
    %dma_start3A_51 = arith.constant 0 : i32
    %dma_start3A_52 = tpu.memref_slice %arg6[%dma_start3A_48, %dma_start3A_50, %dma_start3A_51] : memref<3x512x64xf32, #tpu.memory_space<vmem>> -> memref<1x512x64xf32, #tpu.memory_space<vmem>>
    %dma_start3A_53 = tpu.memref_squeeze %dma_start3A_52 : memref<1x512x64xf32, #tpu.memory_space<vmem>> -> memref<512x64xf32, #tpu.memory_space<vmem>>
    %dma_start3A_54 = arith.constant 0 : i32
    %dma_start3A_55 = arith.constant 0 : i32
    %dma_start3A_56 = tpu.memref_slice %arg4[%add3A_47, %dma_start3A_54, %dma_start3A_55] : memref<1600x512x64xf32, #tpu.memory_space<hbm>> -> memref<1x512x64xf32, #tpu.memory_space<hbm>>
    %dma_start3A_57 = tpu.memref_squeeze %dma_start3A_56 : memref<1x512x64xf32, #tpu.memory_space<hbm>> -> memref<512x64xf32, #tpu.memory_space<hbm>>
    %dma_start3A_58 = tpu.memref_slice %arg8[%dma_start3A_49] : memref<3x!tpu.dma_semaphore, #tpu.memory_space<semaphore_mem>> -> memref<1x!tpu.dma_semaphore, #tpu.memory_space<semaphore_mem>>
    %dma_start3A_59 = tpu.memref_squeeze %dma_start3A_58 : memref<1x!tpu.dma_semaphore, #tpu.memory_space<semaphore_mem>> -> memref<!tpu.dma_semaphore, #tpu.memory_space<semaphore_mem>>
    %dma_start3A_60 = arith.constant 0 : i32
    %dma_start3A_61 = arith.constant 0 : i32
    %dma_start3A_62 = tpu.memref_slice %arg4[%add3A_47, %dma_start3A_60, %dma_start3A_61] : memref<1600x512x64xf32, #tpu.memory_space<hbm>> -> memref<1x512x64xf32, #tpu.memory_space<hbm>>
    %dma_start3A_63 = tpu.memref_squeeze %dma_start3A_62 : memref<1x512x64xf32, #tpu.memory_space<hbm>> -> memref<512x64xf32, #tpu.memory_space<hbm>>
    %dma_start3A_64 = arith.constant 0 : i32
    %dma_start3A_65 = arith.constant 0 : i32
    %dma_start3A_66 = tpu.memref_slice %arg6[%dma_start3A_48, %dma_start3A_64, %dma_start3A_65] : memref<3x512x64xf32, #tpu.memory_space<vmem>> -> memref<1x512x64xf32, #tpu.memory_space<vmem>>
    %dma_start3A_67 = tpu.memref_squeeze %dma_start3A_66 : memref<1x512x64xf32, #tpu.memory_space<vmem>> -> memref<512x64xf32, #tpu.memory_space<vmem>>
    tpu.enqueue_dma source(%dma_start3A_67 : memref<512x64xf32, #tpu.memory_space<vmem>>) target(%dma_start3A_63 : memref<512x64xf32, #tpu.memory_space<hbm>>) target_semaphore(%dma_start3A_59 : memref<!tpu.dma_semaphore, #tpu.memory_space<semaphore_mem>>)
    %dma_start3A_68 = arith.constant 2 : i32
    %dma_start3A_69 = arith.constant 2 : i32
    %dma_start3A_70 = arith.constant 2 : i32
    %dma_start3A_71 = arith.constant 0 : i32
    %dma_start3A_72 = arith.constant 0 : i32
    %dma_start3A_73 = tpu.memref_slice %arg6[%dma_start3A_69, %dma_start3A_71, %dma_start3A_72] : memref<3x512x64xf32, #tpu.memory_space<vmem>> -> memref<1x512x64xf32, #tpu.memory_space<vmem>>
    %dma_start3A_74 = tpu.memref_squeeze %dma_start3A_73 : memref<1x512x64xf32, #tpu.memory_space<vmem>> -> memref<512x64xf32, #tpu.memory_space<vmem>>
    %dma_start3A_75 = arith.constant 0 : i32
    %dma_start3A_76 = tpu.memref_slice %arg5[%dma_start3A_68, %dma_start3A_75] : memref<50x512xi32, #tpu.memory_space<vmem>> -> memref<1x512xi32, #tpu.memory_space<vmem>>
    %dma_start3A_77 = tpu.memref_squeeze %dma_start3A_76 : memref<1x512xi32, #tpu.memory_space<vmem>> -> memref<512xi32, #tpu.memory_space<vmem>>
    %dma_start3A_78 = arith.constant 0 : i32
    %dma_start3A_79 = arith.constant 0 : i32
    %dma_start3A_80 = tpu.memref_slice %arg3[%dma_start3A_78, %dma_start3A_79] : memref<1000000x64xf32, #tpu.memory_space<hbm>> -> memref<1000000x64xf32, #tpu.memory_space<hbm>>
    %dma_start3A_81 = tpu.memref_slice %arg7[%dma_start3A_70] : memref<3x!tpu.dma_semaphore, #tpu.memory_space<semaphore_mem>> -> memref<1x!tpu.dma_semaphore, #tpu.memory_space<semaphore_mem>>
    %dma_start3A_82 = tpu.memref_squeeze %dma_start3A_81 : memref<1x!tpu.dma_semaphore, #tpu.memory_space<semaphore_mem>> -> memref<!tpu.dma_semaphore, #tpu.memory_space<semaphore_mem>>
    tpu.enqueue_indirect_dma source(%dma_start3A_80 : memref<1000000x64xf32, #tpu.memory_space<hbm>>) target(%dma_start3A_74 : memref<512x64xf32, #tpu.memory_space<vmem>>) offsets(%dma_start3A_77 : memref<512xi32, #tpu.memory_space<vmem>>) semaphore(%dma_start3A_82 : memref<!tpu.dma_semaphore, #tpu.memory_space<semaphore_mem>>)
    %dma_wait3A_83 = arith.constant 1 : i32
    %dma_wait3A_84 = arith.constant 1 : i32
    %dma_wait3A_85 = arith.constant 1 : i32
    %dma_wait3A_86 = arith.constant 0 : i32
    %dma_wait3A_87 = arith.constant 0 : i32
    %dma_wait3A_88 = tpu.memref_slice %arg6[%dma_wait3A_84, %dma_wait3A_86, %dma_wait3A_87] : memref<3x512x64xf32, #tpu.memory_space<vmem>> -> memref<1x512x64xf32, #tpu.memory_space<vmem>>
    %dma_wait3A_89 = tpu.memref_squeeze %dma_wait3A_88 : memref<1x512x64xf32, #tpu.memory_space<vmem>> -> memref<512x64xf32, #tpu.memory_space<vmem>>
    %dma_wait3A_90 = arith.constant 0 : i32
    %dma_wait3A_91 = tpu.memref_slice %arg5[%dma_wait3A_83, %dma_wait3A_90] : memref<50x512xi32, #tpu.memory_space<vmem>> -> memref<1x512xi32, #tpu.memory_space<vmem>>
    %dma_wait3A_92 = tpu.memref_squeeze %dma_wait3A_91 : memref<1x512xi32, #tpu.memory_space<vmem>> -> memref<512xi32, #tpu.memory_space<vmem>>
    %dma_wait3A_93 = arith.constant 0 : i32
    %dma_wait3A_94 = arith.constant 0 : i32
    %dma_wait3A_95 = tpu.memref_slice %arg3[%dma_wait3A_93, %dma_wait3A_94] : memref<1000000x64xf32, #tpu.memory_space<hbm>> -> memref<1000000x64xf32, #tpu.memory_space<hbm>>
    %dma_wait3A_96 = tpu.memref_slice %arg7[%dma_wait3A_85] : memref<3x!tpu.dma_semaphore, #tpu.memory_space<semaphore_mem>> -> memref<1x!tpu.dma_semaphore, #tpu.memory_space<semaphore_mem>>
    %dma_wait3A_97 = tpu.memref_squeeze %dma_wait3A_96 : memref<1x!tpu.dma_semaphore, #tpu.memory_space<semaphore_mem>> -> memref<!tpu.dma_semaphore, #tpu.memory_space<semaphore_mem>>
    tpu.wait_indirect_dma semaphore(%dma_wait3A_97 : memref<!tpu.dma_semaphore, #tpu.memory_space<semaphore_mem>>) src(%dma_wait3A_95 : memref<1000000x64xf32, #tpu.memory_space<hbm>>) dst(%dma_wait3A_89 : memref<512x64xf32, #tpu.memory_space<vmem>>)
    %add3A_98 = arith.constant 1 : i32
    %add3A_99 = arith.addi %mul3A_2, %add3A_98 : i32
    %dma_start3A_100 = arith.constant 1 : i32
    %dma_start3A_101 = arith.constant 1 : i32
    %dma_start3A_102 = arith.constant 0 : i32
    %dma_start3A_103 = arith.constant 0 : i32
    %dma_start3A_104 = tpu.memref_slice %arg6[%dma_start3A_100, %dma_start3A_102, %dma_start3A_103] : memref<3x512x64xf32, #tpu.memory_space<vmem>> -> memref<1x512x64xf32, #tpu.memory_space<vmem>>
    %dma_start3A_105 = tpu.memref_squeeze %dma_start3A_104 : memref<1x512x64xf32, #tpu.memory_space<vmem>> -> memref<512x64xf32, #tpu.memory_space<vmem>>
    %dma_start3A_106 = arith.constant 0 : i32
    %dma_start3A_107 = arith.constant 0 : i32
    %dma_start3A_108 = tpu.memref_slice %arg4[%add3A_99, %dma_start3A_106, %dma_start3A_107] : memref<1600x512x64xf32, #tpu.memory_space<hbm>> -> memref<1x512x64xf32, #tpu.memory_space<hbm>>
    %dma_start3A_109 = tpu.memref_squeeze %dma_start3A_108 : memref<1x512x64xf32, #tpu.memory_space<hbm>> -> memref<512x64xf32, #tpu.memory_space<hbm>>
    %dma_start3A_110 = tpu.memref_slice %arg8[%dma_start3A_101] : memref<3x!tpu.dma_semaphore, #tpu.memory_space<semaphore_mem>> -> memref<1x!tpu.dma_semaphore, #tpu.memory_space<semaphore_mem>>
    %dma_start3A_111 = tpu.memref_squeeze %dma_start3A_110 : memref<1x!tpu.dma_semaphore, #tpu.memory_space<semaphore_mem>> -> memref<!tpu.dma_semaphore, #tpu.memory_space<semaphore_mem>>
    %dma_start3A_112 = arith.constant 0 : i32
    %dma_start3A_113 = arith.constant 0 : i32
    %dma_start3A_114 = tpu.memref_slice %arg4[%add3A_99, %dma_start3A_112, %dma_start3A_113] : memref<1600x512x64xf32, #tpu.memory_space<hbm>> -> memref<1x512x64xf32, #tpu.memory_space<hbm>>
    %dma_start3A_115 = tpu.memref_squeeze %dma_start3A_114 : memref<1x512x64xf32, #tpu.memory_space<hbm>> -> memref<512x64xf32, #tpu.memory_space<hbm>>
    %dma_start3A_116 = arith.constant 0 : i32
    %dma_start3A_117 = arith.constant 0 : i32
    %dma_start3A_118 = tpu.memref_slice %arg6[%dma_start3A_100, %dma_start3A_116, %dma_start3A_117] : memref<3x512x64xf32, #tpu.memory_space<vmem>> -> memref<1x512x64xf32, #tpu.memory_space<vmem>>
    %dma_start3A_119 = tpu.memref_squeeze %dma_start3A_118 : memref<1x512x64xf32, #tpu.memory_space<vmem>> -> memref<512x64xf32, #tpu.memory_space<vmem>>
    tpu.enqueue_dma source(%dma_start3A_119 : memref<512x64xf32, #tpu.memory_space<vmem>>) target(%dma_start3A_115 : memref<512x64xf32, #tpu.memory_space<hbm>>) target_semaphore(%dma_start3A_111 : memref<!tpu.dma_semaphore, #tpu.memory_space<semaphore_mem>>)
    %scan3A = arith.constant 0 : i32
    %scan3A_120 = arith.constant 15 : i32
    %scan3A_121 = arith.addi %scan3A, %scan3A_120 : i32
    %scan3A_122 = arith.constant 1 : i32
    scf.for %scan3A_375 = %scan3A to %scan3A_121 step %scan3A_122  : i32 {
      %mul3A_376 = arith.constant 3 : i32
      %mul3A_377 = arith.muli %scan3A_375, %mul3A_376 : i32
      %add3A_378 = arith.constant 2 : i32
      %add3A_379 = arith.addi %add3A_378, %mul3A_377 : i32
      %add3A_380 = arith.constant 0 : i32
      %add3A_381 = arith.addi %add3A_379, %add3A_380 : i32
      %add3A_382 = arith.constant 1 : i32
      %add3A_383 = arith.addi %add3A_381, %add3A_382 : i32
      %sub3A = arith.constant 3 : i32
      %sub3A_384 = arith.subi %add3A_383, %sub3A : i32
      %add3A_385 = arith.addi %mul3A_2, %sub3A_384 : i32
      %dma_wait3A_386 = arith.constant 0 : i32
      %dma_wait3A_387 = arith.constant 0 : i32
      %dma_wait3A_388 = arith.constant 0 : i32
      %dma_wait3A_389 = arith.constant 0 : i32
      %dma_wait3A_390 = tpu.memref_slice %arg6[%dma_wait3A_386, %dma_wait3A_388, %dma_wait3A_389] : memref<3x512x64xf32, #tpu.memory_space<vmem>> -> memref<1x512x64xf32, #tpu.memory_space<vmem>>
      %dma_wait3A_391 = tpu.memref_squeeze %dma_wait3A_390 : memref<1x512x64xf32, #tpu.memory_space<vmem>> -> memref<512x64xf32, #tpu.memory_space<vmem>>
      %dma_wait3A_392 = arith.constant 0 : i32
      %dma_wait3A_393 = arith.constant 0 : i32
      %dma_wait3A_394 = tpu.memref_slice %arg4[%add3A_385, %dma_wait3A_392, %dma_wait3A_393] : memref<1600x512x64xf32, #tpu.memory_space<hbm>> -> memref<1x512x64xf32, #tpu.memory_space<hbm>>
      %dma_wait3A_395 = tpu.memref_squeeze %dma_wait3A_394 : memref<1x512x64xf32, #tpu.memory_space<hbm>> -> memref<512x64xf32, #tpu.memory_space<hbm>>
      %dma_wait3A_396 = tpu.memref_slice %arg8[%dma_wait3A_387] : memref<3x!tpu.dma_semaphore, #tpu.memory_space<semaphore_mem>> -> memref<1x!tpu.dma_semaphore, #tpu.memory_space<semaphore_mem>>
      %dma_wait3A_397 = tpu.memref_squeeze %dma_wait3A_396 : memref<1x!tpu.dma_semaphore, #tpu.memory_space<semaphore_mem>> -> memref<!tpu.dma_semaphore, #tpu.memory_space<semaphore_mem>>
      %dma_wait3A_398 = arith.constant 0 : i32
      %dma_wait3A_399 = arith.constant 0 : i32
      %dma_wait3A_400 = tpu.memref_slice %arg4[%add3A_385, %dma_wait3A_398, %dma_wait3A_399] : memref<1600x512x64xf32, #tpu.memory_space<hbm>> -> memref<1x512x64xf32, #tpu.memory_space<hbm>>
      %dma_wait3A_401 = tpu.memref_squeeze %dma_wait3A_400 : memref<1x512x64xf32, #tpu.memory_space<hbm>> -> memref<512x64xf32, #tpu.memory_space<hbm>>
      %dma_wait3A_402 = arith.constant 0 : i32
      %dma_wait3A_403 = arith.constant 0 : i32
      %dma_wait3A_404 = tpu.memref_slice %arg6[%dma_wait3A_386, %dma_wait3A_402, %dma_wait3A_403] : memref<3x512x64xf32, #tpu.memory_space<vmem>> -> memref<1x512x64xf32, #tpu.memory_space<vmem>>
      %dma_wait3A_405 = tpu.memref_squeeze %dma_wait3A_404 : memref<1x512x64xf32, #tpu.memory_space<vmem>> -> memref<512x64xf32, #tpu.memory_space<vmem>>
      tpu.wait_dma2 semaphore(%dma_wait3A_397 : memref<!tpu.dma_semaphore, #tpu.memory_space<semaphore_mem>>) src(%dma_wait3A_405 : memref<512x64xf32, #tpu.memory_space<vmem>>) dst(%dma_wait3A_401 : memref<512x64xf32, #tpu.memory_space<hbm>>)
      %add3A_406 = arith.constant 1 : i32
      %add3A_407 = arith.addi %add3A_381, %add3A_406 : i32
      %dma_start3A_408 = arith.constant 0 : i32
      %dma_start3A_409 = arith.constant 0 : i32
      %dma_start3A_410 = arith.constant 0 : i32
      %dma_start3A_411 = arith.constant 0 : i32
      %dma_start3A_412 = tpu.memref_slice %arg6[%dma_start3A_408, %dma_start3A_410, %dma_start3A_411] : memref<3x512x64xf32, #tpu.memory_space<vmem>> -> memref<1x512x64xf32, #tpu.memory_space<vmem>>
      %dma_start3A_413 = tpu.memref_squeeze %dma_start3A_412 : memref<1x512x64xf32, #tpu.memory_space<vmem>> -> memref<512x64xf32, #tpu.memory_space<vmem>>
      %dma_start3A_414 = arith.constant 0 : i32
      %dma_start3A_415 = tpu.memref_slice %arg5[%add3A_407, %dma_start3A_414] : memref<50x512xi32, #tpu.memory_space<vmem>> -> memref<1x512xi32, #tpu.memory_space<vmem>>
      %dma_start3A_416 = tpu.memref_squeeze %dma_start3A_415 : memref<1x512xi32, #tpu.memory_space<vmem>> -> memref<512xi32, #tpu.memory_space<vmem>>
      %dma_start3A_417 = arith.constant 0 : i32
      %dma_start3A_418 = arith.constant 0 : i32
      %dma_start3A_419 = tpu.memref_slice %arg3[%dma_start3A_417, %dma_start3A_418] : memref<1000000x64xf32, #tpu.memory_space<hbm>> -> memref<1000000x64xf32, #tpu.memory_space<hbm>>
      %dma_start3A_420 = tpu.memref_slice %arg7[%dma_start3A_409] : memref<3x!tpu.dma_semaphore, #tpu.memory_space<semaphore_mem>> -> memref<1x!tpu.dma_semaphore, #tpu.memory_space<semaphore_mem>>
      %dma_start3A_421 = tpu.memref_squeeze %dma_start3A_420 : memref<1x!tpu.dma_semaphore, #tpu.memory_space<semaphore_mem>> -> memref<!tpu.dma_semaphore, #tpu.memory_space<semaphore_mem>>
      tpu.enqueue_indirect_dma source(%dma_start3A_419 : memref<1000000x64xf32, #tpu.memory_space<hbm>>) target(%dma_start3A_413 : memref<512x64xf32, #tpu.memory_space<vmem>>) offsets(%dma_start3A_416 : memref<512xi32, #tpu.memory_space<vmem>>) semaphore(%dma_start3A_421 : memref<!tpu.dma_semaphore, #tpu.memory_space<semaphore_mem>>)
      %dma_wait3A_422 = arith.constant 2 : i32
      %dma_wait3A_423 = arith.constant 2 : i32
      %dma_wait3A_424 = arith.constant 0 : i32
      %dma_wait3A_425 = arith.constant 0 : i32
      %dma_wait3A_426 = tpu.memref_slice %arg6[%dma_wait3A_422, %dma_wait3A_424, %dma_wait3A_425] : memref<3x512x64xf32, #tpu.memory_space<vmem>> -> memref<1x512x64xf32, #tpu.memory_space<vmem>>
      %dma_wait3A_427 = tpu.memref_squeeze %dma_wait3A_426 : memref<1x512x64xf32, #tpu.memory_space<vmem>> -> memref<512x64xf32, #tpu.memory_space<vmem>>
      %dma_wait3A_428 = arith.constant 0 : i32
      %dma_wait3A_429 = tpu.memref_slice %arg5[%add3A_381, %dma_wait3A_428] : memref<50x512xi32, #tpu.memory_space<vmem>> -> memref<1x512xi32, #tpu.memory_space<vmem>>
      %dma_wait3A_430 = tpu.memref_squeeze %dma_wait3A_429 : memref<1x512xi32, #tpu.memory_space<vmem>> -> memref<512xi32, #tpu.memory_space<vmem>>
      %dma_wait3A_431 = arith.constant 0 : i32
      %dma_wait3A_432 = arith.constant 0 : i32
      %dma_wait3A_433 = tpu.memref_slice %arg3[%dma_wait3A_431, %dma_wait3A_432] : memref<1000000x64xf32, #tpu.memory_space<hbm>> -> memref<1000000x64xf32, #tpu.memory_space<hbm>>
      %dma_wait3A_434 = tpu.memref_slice %arg7[%dma_wait3A_423] : memref<3x!tpu.dma_semaphore, #tpu.memory_space<semaphore_mem>> -> memref<1x!tpu.dma_semaphore, #tpu.memory_space<semaphore_mem>>
      %dma_wait3A_435 = tpu.memref_squeeze %dma_wait3A_434 : memref<1x!tpu.dma_semaphore, #tpu.memory_space<semaphore_mem>> -> memref<!tpu.dma_semaphore, #tpu.memory_space<semaphore_mem>>
      tpu.wait_indirect_dma semaphore(%dma_wait3A_435 : memref<!tpu.dma_semaphore, #tpu.memory_space<semaphore_mem>>) src(%dma_wait3A_433 : memref<1000000x64xf32, #tpu.memory_space<hbm>>) dst(%dma_wait3A_427 : memref<512x64xf32, #tpu.memory_space<vmem>>)
      %add3A_436 = arith.addi %mul3A_2, %add3A_381 : i32
      %dma_start3A_437 = arith.constant 2 : i32
      %dma_start3A_438 = arith.constant 2 : i32
      %dma_start3A_439 = arith.constant 0 : i32
      %dma_start3A_440 = arith.constant 0 : i32
      %dma_start3A_441 = tpu.memref_slice %arg6[%dma_start3A_437, %dma_start3A_439, %dma_start3A_440] : memref<3x512x64xf32, #tpu.memory_space<vmem>> -> memref<1x512x64xf32, #tpu.memory_space<vmem>>
      %dma_start3A_442 = tpu.memref_squeeze %dma_start3A_441 : memref<1x512x64xf32, #tpu.memory_space<vmem>> -> memref<512x64xf32, #tpu.memory_space<vmem>>
      %dma_start3A_443 = arith.constant 0 : i32
      %dma_start3A_444 = arith.constant 0 : i32
      %dma_start3A_445 = tpu.memref_slice %arg4[%add3A_436, %dma_start3A_443, %dma_start3A_444] : memref<1600x512x64xf32, #tpu.memory_space<hbm>> -> memref<1x512x64xf32, #tpu.memory_space<hbm>>
      %dma_start3A_446 = tpu.memref_squeeze %dma_start3A_445 : memref<1x512x64xf32, #tpu.memory_space<hbm>> -> memref<512x64xf32, #tpu.memory_space<hbm>>
      %dma_start3A_447 = tpu.memref_slice %arg8[%dma_start3A_438] : memref<3x!tpu.dma_semaphore, #tpu.memory_space<semaphore_mem>> -> memref<1x!tpu.dma_semaphore, #tpu.memory_space<semaphore_mem>>
      %dma_start3A_448 = tpu.memref_squeeze %dma_start3A_447 : memref<1x!tpu.dma_semaphore, #tpu.memory_space<semaphore_mem>> -> memref<!tpu.dma_semaphore, #tpu.memory_space<semaphore_mem>>
      %dma_start3A_449 = arith.constant 0 : i32
      %dma_start3A_450 = arith.constant 0 : i32
      %dma_start3A_451 = tpu.memref_slice %arg4[%add3A_436, %dma_start3A_449, %dma_start3A_450] : memref<1600x512x64xf32, #tpu.memory_space<hbm>> -> memref<1x512x64xf32, #tpu.memory_space<hbm>>
      %dma_start3A_452 = tpu.memref_squeeze %dma_start3A_451 : memref<1x512x64xf32, #tpu.memory_space<hbm>> -> memref<512x64xf32, #tpu.memory_space<hbm>>
      %dma_start3A_453 = arith.constant 0 : i32
      %dma_start3A_454 = arith.constant 0 : i32
      %dma_start3A_455 = tpu.memref_slice %arg6[%dma_start3A_437, %dma_start3A_453, %dma_start3A_454] : memref<3x512x64xf32, #tpu.memory_space<vmem>> -> memref<1x512x64xf32, #tpu.memory_space<vmem>>
      %dma_start3A_456 = tpu.memref_squeeze %dma_start3A_455 : memref<1x512x64xf32, #tpu.memory_space<vmem>> -> memref<512x64xf32, #tpu.memory_space<vmem>>
      tpu.enqueue_dma source(%dma_start3A_456 : memref<512x64xf32, #tpu.memory_space<vmem>>) target(%dma_start3A_452 : memref<512x64xf32, #tpu.memory_space<hbm>>) target_semaphore(%dma_start3A_448 : memref<!tpu.dma_semaphore, #tpu.memory_space<semaphore_mem>>)
      %add3A_457 = arith.constant 1 : i32
      %add3A_458 = arith.addi %add3A_379, %add3A_457 : i32
      %add3A_459 = arith.constant 1 : i32
      %add3A_460 = arith.addi %add3A_458, %add3A_459 : i32
      %sub3A_461 = arith.constant 3 : i32
      %sub3A_462 = arith.subi %add3A_460, %sub3A_461 : i32
      %add3A_463 = arith.addi %mul3A_2, %sub3A_462 : i32
      %dma_wait3A_464 = arith.constant 1 : i32
      %dma_wait3A_465 = arith.constant 1 : i32
      %dma_wait3A_466 = arith.constant 0 : i32
      %dma_wait3A_467 = arith.constant 0 : i32
      %dma_wait3A_468 = tpu.memref_slice %arg6[%dma_wait3A_464, %dma_wait3A_466, %dma_wait3A_467] : memref<3x512x64xf32, #tpu.memory_space<vmem>> -> memref<1x512x64xf32, #tpu.memory_space<vmem>>
      %dma_wait3A_469 = tpu.memref_squeeze %dma_wait3A_468 : memref<1x512x64xf32, #tpu.memory_space<vmem>> -> memref<512x64xf32, #tpu.memory_space<vmem>>
      %dma_wait3A_470 = arith.constant 0 : i32
      %dma_wait3A_471 = arith.constant 0 : i32
      %dma_wait3A_472 = tpu.memref_slice %arg4[%add3A_463, %dma_wait3A_470, %dma_wait3A_471] : memref<1600x512x64xf32, #tpu.memory_space<hbm>> -> memref<1x512x64xf32, #tpu.memory_space<hbm>>
      %dma_wait3A_473 = tpu.memref_squeeze %dma_wait3A_472 : memref<1x512x64xf32, #tpu.memory_space<hbm>> -> memref<512x64xf32, #tpu.memory_space<hbm>>
      %dma_wait3A_474 = tpu.memref_slice %arg8[%dma_wait3A_465] : memref<3x!tpu.dma_semaphore, #tpu.memory_space<semaphore_mem>> -> memref<1x!tpu.dma_semaphore, #tpu.memory_space<semaphore_mem>>
      %dma_wait3A_475 = tpu.memref_squeeze %dma_wait3A_474 : memref<1x!tpu.dma_semaphore, #tpu.memory_space<semaphore_mem>> -> memref<!tpu.dma_semaphore, #tpu.memory_space<semaphore_mem>>
      %dma_wait3A_476 = arith.constant 0 : i32
      %dma_wait3A_477 = arith.constant 0 : i32
      %dma_wait3A_478 = tpu.memref_slice %arg4[%add3A_463, %dma_wait3A_476, %dma_wait3A_477] : memref<1600x512x64xf32, #tpu.memory_space<hbm>> -> memref<1x512x64xf32, #tpu.memory_space<hbm>>
      %dma_wait3A_479 = tpu.memref_squeeze %dma_wait3A_478 : memref<1x512x64xf32, #tpu.memory_space<hbm>> -> memref<512x64xf32, #tpu.memory_space<hbm>>
      %dma_wait3A_480 = arith.constant 0 : i32
      %dma_wait3A_481 = arith.constant 0 : i32
      %dma_wait3A_482 = tpu.memref_slice %arg6[%dma_wait3A_464, %dma_wait3A_480, %dma_wait3A_481] : memref<3x512x64xf32, #tpu.memory_space<vmem>> -> memref<1x512x64xf32, #tpu.memory_space<vmem>>
      %dma_wait3A_483 = tpu.memref_squeeze %dma_wait3A_482 : memref<1x512x64xf32, #tpu.memory_space<vmem>> -> memref<512x64xf32, #tpu.memory_space<vmem>>
      tpu.wait_dma2 semaphore(%dma_wait3A_475 : memref<!tpu.dma_semaphore, #tpu.memory_space<semaphore_mem>>) src(%dma_wait3A_483 : memref<512x64xf32, #tpu.memory_space<vmem>>) dst(%dma_wait3A_479 : memref<512x64xf32, #tpu.memory_space<hbm>>)
      %add3A_484 = arith.constant 1 : i32
      %add3A_485 = arith.addi %add3A_458, %add3A_484 : i32
      %dma_start3A_486 = arith.constant 1 : i32
      %dma_start3A_487 = arith.constant 1 : i32
      %dma_start3A_488 = arith.constant 0 : i32
      %dma_start3A_489 = arith.constant 0 : i32
      %dma_start3A_490 = tpu.memref_slice %arg6[%dma_start3A_486, %dma_start3A_488, %dma_start3A_489] : memref<3x512x64xf32, #tpu.memory_space<vmem>> -> memref<1x512x64xf32, #tpu.memory_space<vmem>>
      %dma_start3A_491 = tpu.memref_squeeze %dma_start3A_490 : memref<1x512x64xf32, #tpu.memory_space<vmem>> -> memref<512x64xf32, #tpu.memory_space<vmem>>
      %dma_start3A_492 = arith.constant 0 : i32
      %dma_start3A_493 = tpu.memref_slice %arg5[%add3A_485, %dma_start3A_492] : memref<50x512xi32, #tpu.memory_space<vmem>> -> memref<1x512xi32, #tpu.memory_space<vmem>>
      %dma_start3A_494 = tpu.memref_squeeze %dma_start3A_493 : memref<1x512xi32, #tpu.memory_space<vmem>> -> memref<512xi32, #tpu.memory_space<vmem>>
      %dma_start3A_495 = arith.constant 0 : i32
      %dma_start3A_496 = arith.constant 0 : i32
      %dma_start3A_497 = tpu.memref_slice %arg3[%dma_start3A_495, %dma_start3A_496] : memref<1000000x64xf32, #tpu.memory_space<hbm>> -> memref<1000000x64xf32, #tpu.memory_space<hbm>>
      %dma_start3A_498 = tpu.memref_slice %arg7[%dma_start3A_487] : memref<3x!tpu.dma_semaphore, #tpu.memory_space<semaphore_mem>> -> memref<1x!tpu.dma_semaphore, #tpu.memory_space<semaphore_mem>>
      %dma_start3A_499 = tpu.memref_squeeze %dma_start3A_498 : memref<1x!tpu.dma_semaphore, #tpu.memory_space<semaphore_mem>> -> memref<!tpu.dma_semaphore, #tpu.memory_space<semaphore_mem>>
      tpu.enqueue_indirect_dma source(%dma_start3A_497 : memref<1000000x64xf32, #tpu.memory_space<hbm>>) target(%dma_start3A_491 : memref<512x64xf32, #tpu.memory_space<vmem>>) offsets(%dma_start3A_494 : memref<512xi32, #tpu.memory_space<vmem>>) semaphore(%dma_start3A_499 : memref<!tpu.dma_semaphore, #tpu.memory_space<semaphore_mem>>)
      %dma_wait3A_500 = arith.constant 0 : i32
      %dma_wait3A_501 = arith.constant 0 : i32
      %dma_wait3A_502 = arith.constant 0 : i32
      %dma_wait3A_503 = arith.constant 0 : i32
      %dma_wait3A_504 = tpu.memref_slice %arg6[%dma_wait3A_500, %dma_wait3A_502, %dma_wait3A_503] : memref<3x512x64xf32, #tpu.memory_space<vmem>> -> memref<1x512x64xf32, #tpu.memory_space<vmem>>
      %dma_wait3A_505 = tpu.memref_squeeze %dma_wait3A_504 : memref<1x512x64xf32, #tpu.memory_space<vmem>> -> memref<512x64xf32, #tpu.memory_space<vmem>>
      %dma_wait3A_506 = arith.constant 0 : i32
      %dma_wait3A_507 = tpu.memref_slice %arg5[%add3A_458, %dma_wait3A_506] : memref<50x512xi32, #tpu.memory_space<vmem>> -> memref<1x512xi32, #tpu.memory_space<vmem>>
      %dma_wait3A_508 = tpu.memref_squeeze %dma_wait3A_507 : memref<1x512xi32, #tpu.memory_space<vmem>> -> memref<512xi32, #tpu.memory_space<vmem>>
      %dma_wait3A_509 = arith.constant 0 : i32
      %dma_wait3A_510 = arith.constant 0 : i32
      %dma_wait3A_511 = tpu.memref_slice %arg3[%dma_wait3A_509, %dma_wait3A_510] : memref<1000000x64xf32, #tpu.memory_space<hbm>> -> memref<1000000x64xf32, #tpu.memory_space<hbm>>
      %dma_wait3A_512 = tpu.memref_slice %arg7[%dma_wait3A_501] : memref<3x!tpu.dma_semaphore, #tpu.memory_space<semaphore_mem>> -> memref<1x!tpu.dma_semaphore, #tpu.memory_space<semaphore_mem>>
      %dma_wait3A_513 = tpu.memref_squeeze %dma_wait3A_512 : memref<1x!tpu.dma_semaphore, #tpu.memory_space<semaphore_mem>> -> memref<!tpu.dma_semaphore, #tpu.memory_space<semaphore_mem>>
      tpu.wait_indirect_dma semaphore(%dma_wait3A_513 : memref<!tpu.dma_semaphore, #tpu.memory_space<semaphore_mem>>) src(%dma_wait3A_511 : memref<1000000x64xf32, #tpu.memory_space<hbm>>) dst(%dma_wait3A_505 : memref<512x64xf32, #tpu.memory_space<vmem>>)
      %add3A_514 = arith.addi %mul3A_2, %add3A_458 : i32
      %dma_start3A_515 = arith.constant 0 : i32
      %dma_start3A_516 = arith.constant 0 : i32
      %dma_start3A_517 = arith.constant 0 : i32
      %dma_start3A_518 = arith.constant 0 : i32
      %dma_start3A_519 = tpu.memref_slice %arg6[%dma_start3A_515, %dma_start3A_517, %dma_start3A_518] : memref<3x512x64xf32, #tpu.memory_space<vmem>> -> memref<1x512x64xf32, #tpu.memory_space<vmem>>
      %dma_start3A_520 = tpu.memref_squeeze %dma_start3A_519 : memref<1x512x64xf32, #tpu.memory_space<vmem>> -> memref<512x64xf32, #tpu.memory_space<vmem>>
      %dma_start3A_521 = arith.constant 0 : i32
      %dma_start3A_522 = arith.constant 0 : i32
      %dma_start3A_523 = tpu.memref_slice %arg4[%add3A_514, %dma_start3A_521, %dma_start3A_522] : memref<1600x512x64xf32, #tpu.memory_space<hbm>> -> memref<1x512x64xf32, #tpu.memory_space<hbm>>
      %dma_start3A_524 = tpu.memref_squeeze %dma_start3A_523 : memref<1x512x64xf32, #tpu.memory_space<hbm>> -> memref<512x64xf32, #tpu.memory_space<hbm>>
      %dma_start3A_525 = tpu.memref_slice %arg8[%dma_start3A_516] : memref<3x!tpu.dma_semaphore, #tpu.memory_space<semaphore_mem>> -> memref<1x!tpu.dma_semaphore, #tpu.memory_space<semaphore_mem>>
      %dma_start3A_526 = tpu.memref_squeeze %dma_start3A_525 : memref<1x!tpu.dma_semaphore, #tpu.memory_space<semaphore_mem>> -> memref<!tpu.dma_semaphore, #tpu.memory_space<semaphore_mem>>
      %dma_start3A_527 = arith.constant 0 : i32
      %dma_start3A_528 = arith.constant 0 : i32
      %dma_start3A_529 = tpu.memref_slice %arg4[%add3A_514, %dma_start3A_527, %dma_start3A_528] : memref<1600x512x64xf32, #tpu.memory_space<hbm>> -> memref<1x512x64xf32, #tpu.memory_space<hbm>>
      %dma_start3A_530 = tpu.memref_squeeze %dma_start3A_529 : memref<1x512x64xf32, #tpu.memory_space<hbm>> -> memref<512x64xf32, #tpu.memory_space<hbm>>
      %dma_start3A_531 = arith.constant 0 : i32
      %dma_start3A_532 = arith.constant 0 : i32
      %dma_start3A_533 = tpu.memref_slice %arg6[%dma_start3A_515, %dma_start3A_531, %dma_start3A_532] : memref<3x512x64xf32, #tpu.memory_space<vmem>> -> memref<1x512x64xf32, #tpu.memory_space<vmem>>
      %dma_start3A_534 = tpu.memref_squeeze %dma_start3A_533 : memref<1x512x64xf32, #tpu.memory_space<vmem>> -> memref<512x64xf32, #tpu.memory_space<vmem>>
      tpu.enqueue_dma source(%dma_start3A_534 : memref<512x64xf32, #tpu.memory_space<vmem>>) target(%dma_start3A_530 : memref<512x64xf32, #tpu.memory_space<hbm>>) target_semaphore(%dma_start3A_526 : memref<!tpu.dma_semaphore, #tpu.memory_space<semaphore_mem>>)
      %add3A_535 = arith.constant 2 : i32
      %add3A_536 = arith.addi %add3A_379, %add3A_535 : i32
      %add3A_537 = arith.constant 1 : i32
      %add3A_538 = arith.addi %add3A_536, %add3A_537 : i32
      %sub3A_539 = arith.constant 3 : i32
      %sub3A_540 = arith.subi %add3A_538, %sub3A_539 : i32
      %add3A_541 = arith.addi %mul3A_2, %sub3A_540 : i32
      %dma_wait3A_542 = arith.constant 2 : i32
      %dma_wait3A_543 = arith.constant 2 : i32
      %dma_wait3A_544 = arith.constant 0 : i32
      %dma_wait3A_545 = arith.constant 0 : i32
      %dma_wait3A_546 = tpu.memref_slice %arg6[%dma_wait3A_542, %dma_wait3A_544, %dma_wait3A_545] : memref<3x512x64xf32, #tpu.memory_space<vmem>> -> memref<1x512x64xf32, #tpu.memory_space<vmem>>
      %dma_wait3A_547 = tpu.memref_squeeze %dma_wait3A_546 : memref<1x512x64xf32, #tpu.memory_space<vmem>> -> memref<512x64xf32, #tpu.memory_space<vmem>>
      %dma_wait3A_548 = arith.constant 0 : i32
      %dma_wait3A_549 = arith.constant 0 : i32
      %dma_wait3A_550 = tpu.memref_slice %arg4[%add3A_541, %dma_wait3A_548, %dma_wait3A_549] : memref<1600x512x64xf32, #tpu.memory_space<hbm>> -> memref<1x512x64xf32, #tpu.memory_space<hbm>>
      %dma_wait3A_551 = tpu.memref_squeeze %dma_wait3A_550 : memref<1x512x64xf32, #tpu.memory_space<hbm>> -> memref<512x64xf32, #tpu.memory_space<hbm>>
      %dma_wait3A_552 = tpu.memref_slice %arg8[%dma_wait3A_543] : memref<3x!tpu.dma_semaphore, #tpu.memory_space<semaphore_mem>> -> memref<1x!tpu.dma_semaphore, #tpu.memory_space<semaphore_mem>>
      %dma_wait3A_553 = tpu.memref_squeeze %dma_wait3A_552 : memref<1x!tpu.dma_semaphore, #tpu.memory_space<semaphore_mem>> -> memref<!tpu.dma_semaphore, #tpu.memory_space<semaphore_mem>>
      %dma_wait3A_554 = arith.constant 0 : i32
      %dma_wait3A_555 = arith.constant 0 : i32
      %dma_wait3A_556 = tpu.memref_slice %arg4[%add3A_541, %dma_wait3A_554, %dma_wait3A_555] : memref<1600x512x64xf32, #tpu.memory_space<hbm>> -> memref<1x512x64xf32, #tpu.memory_space<hbm>>
      %dma_wait3A_557 = tpu.memref_squeeze %dma_wait3A_556 : memref<1x512x64xf32, #tpu.memory_space<hbm>> -> memref<512x64xf32, #tpu.memory_space<hbm>>
      %dma_wait3A_558 = arith.constant 0 : i32
      %dma_wait3A_559 = arith.constant 0 : i32
      %dma_wait3A_560 = tpu.memref_slice %arg6[%dma_wait3A_542, %dma_wait3A_558, %dma_wait3A_559] : memref<3x512x64xf32, #tpu.memory_space<vmem>> -> memref<1x512x64xf32, #tpu.memory_space<vmem>>
      %dma_wait3A_561 = tpu.memref_squeeze %dma_wait3A_560 : memref<1x512x64xf32, #tpu.memory_space<vmem>> -> memref<512x64xf32, #tpu.memory_space<vmem>>
      tpu.wait_dma2 semaphore(%dma_wait3A_553 : memref<!tpu.dma_semaphore, #tpu.memory_space<semaphore_mem>>) src(%dma_wait3A_561 : memref<512x64xf32, #tpu.memory_space<vmem>>) dst(%dma_wait3A_557 : memref<512x64xf32, #tpu.memory_space<hbm>>)
      %add3A_562 = arith.constant 1 : i32
      %add3A_563 = arith.addi %add3A_536, %add3A_562 : i32
      %dma_start3A_564 = arith.constant 2 : i32
      %dma_start3A_565 = arith.constant 2 : i32
      %dma_start3A_566 = arith.constant 0 : i32
      %dma_start3A_567 = arith.constant 0 : i32
      %dma_start3A_568 = tpu.memref_slice %arg6[%dma_start3A_564, %dma_start3A_566, %dma_start3A_567] : memref<3x512x64xf32, #tpu.memory_space<vmem>> -> memref<1x512x64xf32, #tpu.memory_space<vmem>>
      %dma_start3A_569 = tpu.memref_squeeze %dma_start3A_568 : memref<1x512x64xf32, #tpu.memory_space<vmem>> -> memref<512x64xf32, #tpu.memory_space<vmem>>
      %dma_start3A_570 = arith.constant 0 : i32
      %dma_start3A_571 = tpu.memref_slice %arg5[%add3A_563, %dma_start3A_570] : memref<50x512xi32, #tpu.memory_space<vmem>> -> memref<1x512xi32, #tpu.memory_space<vmem>>
      %dma_start3A_572 = tpu.memref_squeeze %dma_start3A_571 : memref<1x512xi32, #tpu.memory_space<vmem>> -> memref<512xi32, #tpu.memory_space<vmem>>
      %dma_start3A_573 = arith.constant 0 : i32
      %dma_start3A_574 = arith.constant 0 : i32
      %dma_start3A_575 = tpu.memref_slice %arg3[%dma_start3A_573, %dma_start3A_574] : memref<1000000x64xf32, #tpu.memory_space<hbm>> -> memref<1000000x64xf32, #tpu.memory_space<hbm>>
      %dma_start3A_576 = tpu.memref_slice %arg7[%dma_start3A_565] : memref<3x!tpu.dma_semaphore, #tpu.memory_space<semaphore_mem>> -> memref<1x!tpu.dma_semaphore, #tpu.memory_space<semaphore_mem>>
      %dma_start3A_577 = tpu.memref_squeeze %dma_start3A_576 : memref<1x!tpu.dma_semaphore, #tpu.memory_space<semaphore_mem>> -> memref<!tpu.dma_semaphore, #tpu.memory_space<semaphore_mem>>
      tpu.enqueue_indirect_dma source(%dma_start3A_575 : memref<1000000x64xf32, #tpu.memory_space<hbm>>) target(%dma_start3A_569 : memref<512x64xf32, #tpu.memory_space<vmem>>) offsets(%dma_start3A_572 : memref<512xi32, #tpu.memory_space<vmem>>) semaphore(%dma_start3A_577 : memref<!tpu.dma_semaphore, #tpu.memory_space<semaphore_mem>>)
      %dma_wait3A_578 = arith.constant 1 : i32
      %dma_wait3A_579 = arith.constant 1 : i32
      %dma_wait3A_580 = arith.constant 0 : i32
      %dma_wait3A_581 = arith.constant 0 : i32
      %dma_wait3A_582 = tpu.memref_slice %arg6[%dma_wait3A_578, %dma_wait3A_580, %dma_wait3A_581] : memref<3x512x64xf32, #tpu.memory_space<vmem>> -> memref<1x512x64xf32, #tpu.memory_space<vmem>>
      %dma_wait3A_583 = tpu.memref_squeeze %dma_wait3A_582 : memref<1x512x64xf32, #tpu.memory_space<vmem>> -> memref<512x64xf32, #tpu.memory_space<vmem>>
      %dma_wait3A_584 = arith.constant 0 : i32
      %dma_wait3A_585 = tpu.memref_slice %arg5[%add3A_536, %dma_wait3A_584] : memref<50x512xi32, #tpu.memory_space<vmem>> -> memref<1x512xi32, #tpu.memory_space<vmem>>
      %dma_wait3A_586 = tpu.memref_squeeze %dma_wait3A_585 : memref<1x512xi32, #tpu.memory_space<vmem>> -> memref<512xi32, #tpu.memory_space<vmem>>
      %dma_wait3A_587 = arith.constant 0 : i32
      %dma_wait3A_588 = arith.constant 0 : i32
      %dma_wait3A_589 = tpu.memref_slice %arg3[%dma_wait3A_587, %dma_wait3A_588] : memref<1000000x64xf32, #tpu.memory_space<hbm>> -> memref<1000000x64xf32, #tpu.memory_space<hbm>>
      %dma_wait3A_590 = tpu.memref_slice %arg7[%dma_wait3A_579] : memref<3x!tpu.dma_semaphore, #tpu.memory_space<semaphore_mem>> -> memref<1x!tpu.dma_semaphore, #tpu.memory_space<semaphore_mem>>
      %dma_wait3A_591 = tpu.memref_squeeze %dma_wait3A_590 : memref<1x!tpu.dma_semaphore, #tpu.memory_space<semaphore_mem>> -> memref<!tpu.dma_semaphore, #tpu.memory_space<semaphore_mem>>
      tpu.wait_indirect_dma semaphore(%dma_wait3A_591 : memref<!tpu.dma_semaphore, #tpu.memory_space<semaphore_mem>>) src(%dma_wait3A_589 : memref<1000000x64xf32, #tpu.memory_space<hbm>>) dst(%dma_wait3A_583 : memref<512x64xf32, #tpu.memory_space<vmem>>)
      %add3A_592 = arith.addi %mul3A_2, %add3A_536 : i32
      %dma_start3A_593 = arith.constant 1 : i32
      %dma_start3A_594 = arith.constant 1 : i32
      %dma_start3A_595 = arith.constant 0 : i32
      %dma_start3A_596 = arith.constant 0 : i32
      %dma_start3A_597 = tpu.memref_slice %arg6[%dma_start3A_593, %dma_start3A_595, %dma_start3A_596] : memref<3x512x64xf32, #tpu.memory_space<vmem>> -> memref<1x512x64xf32, #tpu.memory_space<vmem>>
      %dma_start3A_598 = tpu.memref_squeeze %dma_start3A_597 : memref<1x512x64xf32, #tpu.memory_space<vmem>> -> memref<512x64xf32, #tpu.memory_space<vmem>>
      %dma_start3A_599 = arith.constant 0 : i32
      %dma_start3A_600 = arith.constant 0 : i32
      %dma_start3A_601 = tpu.memref_slice %arg4[%add3A_592, %dma_start3A_599, %dma_start3A_600] : memref<1600x512x64xf32, #tpu.memory_space<hbm>> -> memref<1x512x64xf32, #tpu.memory_space<hbm>>
      %dma_start3A_602 = tpu.memref_squeeze %dma_start3A_601 : memref<1x512x64xf32, #tpu.memory_space<hbm>> -> memref<512x64xf32, #tpu.memory_space<hbm>>
      %dma_start3A_603 = tpu.memref_slice %arg8[%dma_start3A_594] : memref<3x!tpu.dma_semaphore, #tpu.memory_space<semaphore_mem>> -> memref<1x!tpu.dma_semaphore, #tpu.memory_space<semaphore_mem>>
      %dma_start3A_604 = tpu.memref_squeeze %dma_start3A_603 : memref<1x!tpu.dma_semaphore, #tpu.memory_space<semaphore_mem>> -> memref<!tpu.dma_semaphore, #tpu.memory_space<semaphore_mem>>
      %dma_start3A_605 = arith.constant 0 : i32
      %dma_start3A_606 = arith.constant 0 : i32
      %dma_start3A_607 = tpu.memref_slice %arg4[%add3A_592, %dma_start3A_605, %dma_start3A_606] : memref<1600x512x64xf32, #tpu.memory_space<hbm>> -> memref<1x512x64xf32, #tpu.memory_space<hbm>>
      %dma_start3A_608 = tpu.memref_squeeze %dma_start3A_607 : memref<1x512x64xf32, #tpu.memory_space<hbm>> -> memref<512x64xf32, #tpu.memory_space<hbm>>
      %dma_start3A_609 = arith.constant 0 : i32
      %dma_start3A_610 = arith.constant 0 : i32
      %dma_start3A_611 = tpu.memref_slice %arg6[%dma_start3A_593, %dma_start3A_609, %dma_start3A_610] : memref<3x512x64xf32, #tpu.memory_space<vmem>> -> memref<1x512x64xf32, #tpu.memory_space<vmem>>
      %dma_start3A_612 = tpu.memref_squeeze %dma_start3A_611 : memref<1x512x64xf32, #tpu.memory_space<vmem>> -> memref<512x64xf32, #tpu.memory_space<vmem>>
      tpu.enqueue_dma source(%dma_start3A_612 : memref<512x64xf32, #tpu.memory_space<vmem>>) target(%dma_start3A_608 : memref<512x64xf32, #tpu.memory_space<hbm>>) target_semaphore(%dma_start3A_604 : memref<!tpu.dma_semaphore, #tpu.memory_space<semaphore_mem>>)
    }
    %scan3A_123 = arith.constant 15 : i32
    %add3A_124 = arith.constant 45 : i32
    %add3A_125 = arith.addi %mul3A_2, %add3A_124 : i32
    %dma_wait3A_126 = arith.constant 0 : i32
    %dma_wait3A_127 = arith.constant 0 : i32
    %dma_wait3A_128 = arith.constant 0 : i32
    %dma_wait3A_129 = arith.constant 0 : i32
    %dma_wait3A_130 = tpu.memref_slice %arg6[%dma_wait3A_126, %dma_wait3A_128, %dma_wait3A_129] : memref<3x512x64xf32, #tpu.memory_space<vmem>> -> memref<1x512x64xf32, #tpu.memory_space<vmem>>
    %dma_wait3A_131 = tpu.memref_squeeze %dma_wait3A_130 : memref<1x512x64xf32, #tpu.memory_space<vmem>> -> memref<512x64xf32, #tpu.memory_space<vmem>>
    %dma_wait3A_132 = arith.constant 0 : i32
    %dma_wait3A_133 = arith.constant 0 : i32
    %dma_wait3A_134 = tpu.memref_slice %arg4[%add3A_125, %dma_wait3A_132, %dma_wait3A_133] : memref<1600x512x64xf32, #tpu.memory_space<hbm>> -> memref<1x512x64xf32, #tpu.memory_space<hbm>>
    %dma_wait3A_135 = tpu.memref_squeeze %dma_wait3A_134 : memref<1x512x64xf32, #tpu.memory_space<hbm>> -> memref<512x64xf32, #tpu.memory_space<hbm>>
    %dma_wait3A_136 = tpu.memref_slice %arg8[%dma_wait3A_127] : memref<3x!tpu.dma_semaphore, #tpu.memory_space<semaphore_mem>> -> memref<1x!tpu.dma_semaphore, #tpu.memory_space<semaphore_mem>>
    %dma_wait3A_137 = tpu.memref_squeeze %dma_wait3A_136 : memref<1x!tpu.dma_semaphore, #tpu.memory_space<semaphore_mem>> -> memref<!tpu.dma_semaphore, #tpu.memory_space<semaphore_mem>>
    %dma_wait3A_138 = arith.constant 0 : i32
    %dma_wait3A_139 = arith.constant 0 : i32
    %dma_wait3A_140 = tpu.memref_slice %arg4[%add3A_125, %dma_wait3A_138, %dma_wait3A_139] : memref<1600x512x64xf32, #tpu.memory_space<hbm>> -> memref<1x512x64xf32, #tpu.memory_space<hbm>>
    %dma_wait3A_141 = tpu.memref_squeeze %dma_wait3A_140 : memref<1x512x64xf32, #tpu.memory_space<hbm>> -> memref<512x64xf32, #tpu.memory_space<hbm>>
    %dma_wait3A_142 = arith.constant 0 : i32
    %dma_wait3A_143 = arith.constant 0 : i32
    %dma_wait3A_144 = tpu.memref_slice %arg6[%dma_wait3A_126, %dma_wait3A_142, %dma_wait3A_143] : memref<3x512x64xf32, #tpu.memory_space<vmem>> -> memref<1x512x64xf32, #tpu.memory_space<vmem>>
    %dma_wait3A_145 = tpu.memref_squeeze %dma_wait3A_144 : memref<1x512x64xf32, #tpu.memory_space<vmem>> -> memref<512x64xf32, #tpu.memory_space<vmem>>
    tpu.wait_dma2 semaphore(%dma_wait3A_137 : memref<!tpu.dma_semaphore, #tpu.memory_space<semaphore_mem>>) src(%dma_wait3A_145 : memref<512x64xf32, #tpu.memory_space<vmem>>) dst(%dma_wait3A_141 : memref<512x64xf32, #tpu.memory_space<hbm>>)
    %dma_start3A_146 = arith.constant 48 : i32
    %dma_start3A_147 = arith.constant 0 : i32
    %dma_start3A_148 = arith.constant 0 : i32
    %dma_start3A_149 = arith.constant 0 : i32
    %dma_start3A_150 = arith.constant 0 : i32
    %dma_start3A_151 = tpu.memref_slice %arg6[%dma_start3A_147, %dma_start3A_149, %dma_start3A_150] : memref<3x512x64xf32, #tpu.memory_space<vmem>> -> memref<1x512x64xf32, #tpu.memory_space<vmem>>
    %dma_start3A_152 = tpu.memref_squeeze %dma_start3A_151 : memref<1x512x64xf32, #tpu.memory_space<vmem>> -> memref<512x64xf32, #tpu.memory_space<vmem>>
    %dma_start3A_153 = arith.constant 0 : i32
    %dma_start3A_154 = tpu.memref_slice %arg5[%dma_start3A_146, %dma_start3A_153] : memref<50x512xi32, #tpu.memory_space<vmem>> -> memref<1x512xi32, #tpu.memory_space<vmem>>
    %dma_start3A_155 = tpu.memref_squeeze %dma_start3A_154 : memref<1x512xi32, #tpu.memory_space<vmem>> -> memref<512xi32, #tpu.memory_space<vmem>>
    %dma_start3A_156 = arith.constant 0 : i32
    %dma_start3A_157 = arith.constant 0 : i32
    %dma_start3A_158 = tpu.memref_slice %arg3[%dma_start3A_156, %dma_start3A_157] : memref<1000000x64xf32, #tpu.memory_space<hbm>> -> memref<1000000x64xf32, #tpu.memory_space<hbm>>
    %dma_start3A_159 = tpu.memref_slice %arg7[%dma_start3A_148] : memref<3x!tpu.dma_semaphore, #tpu.memory_space<semaphore_mem>> -> memref<1x!tpu.dma_semaphore, #tpu.memory_space<semaphore_mem>>
    %dma_start3A_160 = tpu.memref_squeeze %dma_start3A_159 : memref<1x!tpu.dma_semaphore, #tpu.memory_space<semaphore_mem>> -> memref<!tpu.dma_semaphore, #tpu.memory_space<semaphore_mem>>
    tpu.enqueue_indirect_dma source(%dma_start3A_158 : memref<1000000x64xf32, #tpu.memory_space<hbm>>) target(%dma_start3A_152 : memref<512x64xf32, #tpu.memory_space<vmem>>) offsets(%dma_start3A_155 : memref<512xi32, #tpu.memory_space<vmem>>) semaphore(%dma_start3A_160 : memref<!tpu.dma_semaphore, #tpu.memory_space<semaphore_mem>>)
    %dma_wait3A_161 = arith.constant 47 : i32
    %dma_wait3A_162 = arith.constant 2 : i32
    %dma_wait3A_163 = arith.constant 2 : i32
    %dma_wait3A_164 = arith.constant 0 : i32
    %dma_wait3A_165 = arith.constant 0 : i32
    %dma_wait3A_166 = tpu.memref_slice %arg6[%dma_wait3A_162, %dma_wait3A_164, %dma_wait3A_165] : memref<3x512x64xf32, #tpu.memory_space<vmem>> -> memref<1x512x64xf32, #tpu.memory_space<vmem>>
    %dma_wait3A_167 = tpu.memref_squeeze %dma_wait3A_166 : memref<1x512x64xf32, #tpu.memory_space<vmem>> -> memref<512x64xf32, #tpu.memory_space<vmem>>
    %dma_wait3A_168 = arith.constant 0 : i32
    %dma_wait3A_169 = tpu.memref_slice %arg5[%dma_wait3A_161, %dma_wait3A_168] : memref<50x512xi32, #tpu.memory_space<vmem>> -> memref<1x512xi32, #tpu.memory_space<vmem>>
    %dma_wait3A_170 = tpu.memref_squeeze %dma_wait3A_169 : memref<1x512xi32, #tpu.memory_space<vmem>> -> memref<512xi32, #tpu.memory_space<vmem>>
    %dma_wait3A_171 = arith.constant 0 : i32
    %dma_wait3A_172 = arith.constant 0 : i32
    %dma_wait3A_173 = tpu.memref_slice %arg3[%dma_wait3A_171, %dma_wait3A_172] : memref<1000000x64xf32, #tpu.memory_space<hbm>> -> memref<1000000x64xf32, #tpu.memory_space<hbm>>
    %dma_wait3A_174 = tpu.memref_slice %arg7[%dma_wait3A_163] : memref<3x!tpu.dma_semaphore, #tpu.memory_space<semaphore_mem>> -> memref<1x!tpu.dma_semaphore, #tpu.memory_space<semaphore_mem>>
    %dma_wait3A_175 = tpu.memref_squeeze %dma_wait3A_174 : memref<1x!tpu.dma_semaphore, #tpu.memory_space<semaphore_mem>> -> memref<!tpu.dma_semaphore, #tpu.memory_space<semaphore_mem>>
    tpu.wait_indirect_dma semaphore(%dma_wait3A_175 : memref<!tpu.dma_semaphore, #tpu.memory_space<semaphore_mem>>) src(%dma_wait3A_173 : memref<1000000x64xf32, #tpu.memory_space<hbm>>) dst(%dma_wait3A_167 : memref<512x64xf32, #tpu.memory_space<vmem>>)
    %add3A_176 = arith.constant 47 : i32
    %add3A_177 = arith.addi %mul3A_2, %add3A_176 : i32
    %dma_start3A_178 = arith.constant 2 : i32
    %dma_start3A_179 = arith.constant 2 : i32
    %dma_start3A_180 = arith.constant 0 : i32
    %dma_start3A_181 = arith.constant 0 : i32
    %dma_start3A_182 = tpu.memref_slice %arg6[%dma_start3A_178, %dma_start3A_180, %dma_start3A_181] : memref<3x512x64xf32, #tpu.memory_space<vmem>> -> memref<1x512x64xf32, #tpu.memory_space<vmem>>
    %dma_start3A_183 = tpu.memref_squeeze %dma_start3A_182 : memref<1x512x64xf32, #tpu.memory_space<vmem>> -> memref<512x64xf32, #tpu.memory_space<vmem>>
    %dma_start3A_184 = arith.constant 0 : i32
    %dma_start3A_185 = arith.constant 0 : i32
    %dma_start3A_186 = tpu.memref_slice %arg4[%add3A_177, %dma_start3A_184, %dma_start3A_185] : memref<1600x512x64xf32, #tpu.memory_space<hbm>> -> memref<1x512x64xf32, #tpu.memory_space<hbm>>
    %dma_start3A_187 = tpu.memref_squeeze %dma_start3A_186 : memref<1x512x64xf32, #tpu.memory_space<hbm>> -> memref<512x64xf32, #tpu.memory_space<hbm>>
    %dma_start3A_188 = tpu.memref_slice %arg8[%dma_start3A_179] : memref<3x!tpu.dma_semaphore, #tpu.memory_space<semaphore_mem>> -> memref<1x!tpu.dma_semaphore, #tpu.memory_space<semaphore_mem>>
    %dma_start3A_189 = tpu.memref_squeeze %dma_start3A_188 : memref<1x!tpu.dma_semaphore, #tpu.memory_space<semaphore_mem>> -> memref<!tpu.dma_semaphore, #tpu.memory_space<semaphore_mem>>
    %dma_start3A_190 = arith.constant 0 : i32
    %dma_start3A_191 = arith.constant 0 : i32
    %dma_start3A_192 = tpu.memref_slice %arg4[%add3A_177, %dma_start3A_190, %dma_start3A_191] : memref<1600x512x64xf32, #tpu.memory_space<hbm>> -> memref<1x512x64xf32, #tpu.memory_space<hbm>>
    %dma_start3A_193 = tpu.memref_squeeze %dma_start3A_192 : memref<1x512x64xf32, #tpu.memory_space<hbm>> -> memref<512x64xf32, #tpu.memory_space<hbm>>
    %dma_start3A_194 = arith.constant 0 : i32
    %dma_start3A_195 = arith.constant 0 : i32
    %dma_start3A_196 = tpu.memref_slice %arg6[%dma_start3A_178, %dma_start3A_194, %dma_start3A_195] : memref<3x512x64xf32, #tpu.memory_space<vmem>> -> memref<1x512x64xf32, #tpu.memory_space<vmem>>
    %dma_start3A_197 = tpu.memref_squeeze %dma_start3A_196 : memref<1x512x64xf32, #tpu.memory_space<vmem>> -> memref<512x64xf32, #tpu.memory_space<vmem>>
    tpu.enqueue_dma source(%dma_start3A_197 : memref<512x64xf32, #tpu.memory_space<vmem>>) target(%dma_start3A_193 : memref<512x64xf32, #tpu.memory_space<hbm>>) target_semaphore(%dma_start3A_189 : memref<!tpu.dma_semaphore, #tpu.memory_space<semaphore_mem>>)
    %add3A_198 = arith.constant 46 : i32
    %add3A_199 = arith.addi %mul3A_2, %add3A_198 : i32
    %dma_wait3A_200 = arith.constant 1 : i32
    %dma_wait3A_201 = arith.constant 1 : i32
    %dma_wait3A_202 = arith.constant 0 : i32
    %dma_wait3A_203 = arith.constant 0 : i32
    %dma_wait3A_204 = tpu.memref_slice %arg6[%dma_wait3A_200, %dma_wait3A_202, %dma_wait3A_203] : memref<3x512x64xf32, #tpu.memory_space<vmem>> -> memref<1x512x64xf32, #tpu.memory_space<vmem>>
    %dma_wait3A_205 = tpu.memref_squeeze %dma_wait3A_204 : memref<1x512x64xf32, #tpu.memory_space<vmem>> -> memref<512x64xf32, #tpu.memory_space<vmem>>
    %dma_wait3A_206 = arith.constant 0 : i32
    %dma_wait3A_207 = arith.constant 0 : i32
    %dma_wait3A_208 = tpu.memref_slice %arg4[%add3A_199, %dma_wait3A_206, %dma_wait3A_207] : memref<1600x512x64xf32, #tpu.memory_space<hbm>> -> memref<1x512x64xf32, #tpu.memory_space<hbm>>
    %dma_wait3A_209 = tpu.memref_squeeze %dma_wait3A_208 : memref<1x512x64xf32, #tpu.memory_space<hbm>> -> memref<512x64xf32, #tpu.memory_space<hbm>>
    %dma_wait3A_210 = tpu.memref_slice %arg8[%dma_wait3A_201] : memref<3x!tpu.dma_semaphore, #tpu.memory_space<semaphore_mem>> -> memref<1x!tpu.dma_semaphore, #tpu.memory_space<semaphore_mem>>
    %dma_wait3A_211 = tpu.memref_squeeze %dma_wait3A_210 : memref<1x!tpu.dma_semaphore, #tpu.memory_space<semaphore_mem>> -> memref<!tpu.dma_semaphore, #tpu.memory_space<semaphore_mem>>
    %dma_wait3A_212 = arith.constant 0 : i32
    %dma_wait3A_213 = arith.constant 0 : i32
    %dma_wait3A_214 = tpu.memref_slice %arg4[%add3A_199, %dma_wait3A_212, %dma_wait3A_213] : memref<1600x512x64xf32, #tpu.memory_space<hbm>> -> memref<1x512x64xf32, #tpu.memory_space<hbm>>
    %dma_wait3A_215 = tpu.memref_squeeze %dma_wait3A_214 : memref<1x512x64xf32, #tpu.memory_space<hbm>> -> memref<512x64xf32, #tpu.memory_space<hbm>>
    %dma_wait3A_216 = arith.constant 0 : i32
    %dma_wait3A_217 = arith.constant 0 : i32
    %dma_wait3A_218 = tpu.memref_slice %arg6[%dma_wait3A_200, %dma_wait3A_216, %dma_wait3A_217] : memref<3x512x64xf32, #tpu.memory_space<vmem>> -> memref<1x512x64xf32, #tpu.memory_space<vmem>>
    %dma_wait3A_219 = tpu.memref_squeeze %dma_wait3A_218 : memref<1x512x64xf32, #tpu.memory_space<vmem>> -> memref<512x64xf32, #tpu.memory_space<vmem>>
    tpu.wait_dma2 semaphore(%dma_wait3A_211 : memref<!tpu.dma_semaphore, #tpu.memory_space<semaphore_mem>>) src(%dma_wait3A_219 : memref<512x64xf32, #tpu.memory_space<vmem>>) dst(%dma_wait3A_215 : memref<512x64xf32, #tpu.memory_space<hbm>>)
    %dma_start3A_220 = arith.constant 49 : i32
    %dma_start3A_221 = arith.constant 1 : i32
    %dma_start3A_222 = arith.constant 1 : i32
    %dma_start3A_223 = arith.constant 0 : i32
    %dma_start3A_224 = arith.constant 0 : i32
    %dma_start3A_225 = tpu.memref_slice %arg6[%dma_start3A_221, %dma_start3A_223, %dma_start3A_224] : memref<3x512x64xf32, #tpu.memory_space<vmem>> -> memref<1x512x64xf32, #tpu.memory_space<vmem>>
    %dma_start3A_226 = tpu.memref_squeeze %dma_start3A_225 : memref<1x512x64xf32, #tpu.memory_space<vmem>> -> memref<512x64xf32, #tpu.memory_space<vmem>>
    %dma_start3A_227 = arith.constant 0 : i32
    %dma_start3A_228 = tpu.memref_slice %arg5[%dma_start3A_220, %dma_start3A_227] : memref<50x512xi32, #tpu.memory_space<vmem>> -> memref<1x512xi32, #tpu.memory_space<vmem>>
    %dma_start3A_229 = tpu.memref_squeeze %dma_start3A_228 : memref<1x512xi32, #tpu.memory_space<vmem>> -> memref<512xi32, #tpu.memory_space<vmem>>
    %dma_start3A_230 = arith.constant 0 : i32
    %dma_start3A_231 = arith.constant 0 : i32
    %dma_start3A_232 = tpu.memref_slice %arg3[%dma_start3A_230, %dma_start3A_231] : memref<1000000x64xf32, #tpu.memory_space<hbm>> -> memref<1000000x64xf32, #tpu.memory_space<hbm>>
    %dma_start3A_233 = tpu.memref_slice %arg7[%dma_start3A_222] : memref<3x!tpu.dma_semaphore, #tpu.memory_space<semaphore_mem>> -> memref<1x!tpu.dma_semaphore, #tpu.memory_space<semaphore_mem>>
    %dma_start3A_234 = tpu.memref_squeeze %dma_start3A_233 : memref<1x!tpu.dma_semaphore, #tpu.memory_space<semaphore_mem>> -> memref<!tpu.dma_semaphore, #tpu.memory_space<semaphore_mem>>
    tpu.enqueue_indirect_dma source(%dma_start3A_232 : memref<1000000x64xf32, #tpu.memory_space<hbm>>) target(%dma_start3A_226 : memref<512x64xf32, #tpu.memory_space<vmem>>) offsets(%dma_start3A_229 : memref<512xi32, #tpu.memory_space<vmem>>) semaphore(%dma_start3A_234 : memref<!tpu.dma_semaphore, #tpu.memory_space<semaphore_mem>>)
    %dma_wait3A_235 = arith.constant 48 : i32
    %dma_wait3A_236 = arith.constant 0 : i32
    %dma_wait3A_237 = arith.constant 0 : i32
    %dma_wait3A_238 = arith.constant 0 : i32
    %dma_wait3A_239 = arith.constant 0 : i32
    %dma_wait3A_240 = tpu.memref_slice %arg6[%dma_wait3A_236, %dma_wait3A_238, %dma_wait3A_239] : memref<3x512x64xf32, #tpu.memory_space<vmem>> -> memref<1x512x64xf32, #tpu.memory_space<vmem>>
    %dma_wait3A_241 = tpu.memref_squeeze %dma_wait3A_240 : memref<1x512x64xf32, #tpu.memory_space<vmem>> -> memref<512x64xf32, #tpu.memory_space<vmem>>
    %dma_wait3A_242 = arith.constant 0 : i32
    %dma_wait3A_243 = tpu.memref_slice %arg5[%dma_wait3A_235, %dma_wait3A_242] : memref<50x512xi32, #tpu.memory_space<vmem>> -> memref<1x512xi32, #tpu.memory_space<vmem>>
    %dma_wait3A_244 = tpu.memref_squeeze %dma_wait3A_243 : memref<1x512xi32, #tpu.memory_space<vmem>> -> memref<512xi32, #tpu.memory_space<vmem>>
    %dma_wait3A_245 = arith.constant 0 : i32
    %dma_wait3A_246 = arith.constant 0 : i32
    %dma_wait3A_247 = tpu.memref_slice %arg3[%dma_wait3A_245, %dma_wait3A_246] : memref<1000000x64xf32, #tpu.memory_space<hbm>> -> memref<1000000x64xf32, #tpu.memory_space<hbm>>
    %dma_wait3A_248 = tpu.memref_slice %arg7[%dma_wait3A_237] : memref<3x!tpu.dma_semaphore, #tpu.memory_space<semaphore_mem>> -> memref<1x!tpu.dma_semaphore, #tpu.memory_space<semaphore_mem>>
    %dma_wait3A_249 = tpu.memref_squeeze %dma_wait3A_248 : memref<1x!tpu.dma_semaphore, #tpu.memory_space<semaphore_mem>> -> memref<!tpu.dma_semaphore, #tpu.memory_space<semaphore_mem>>
    tpu.wait_indirect_dma semaphore(%dma_wait3A_249 : memref<!tpu.dma_semaphore, #tpu.memory_space<semaphore_mem>>) src(%dma_wait3A_247 : memref<1000000x64xf32, #tpu.memory_space<hbm>>) dst(%dma_wait3A_241 : memref<512x64xf32, #tpu.memory_space<vmem>>)
    %add3A_250 = arith.constant 48 : i32
    %add3A_251 = arith.addi %mul3A_2, %add3A_250 : i32
    %dma_start3A_252 = arith.constant 0 : i32
    %dma_start3A_253 = arith.constant 0 : i32
    %dma_start3A_254 = arith.constant 0 : i32
    %dma_start3A_255 = arith.constant 0 : i32
    %dma_start3A_256 = tpu.memref_slice %arg6[%dma_start3A_252, %dma_start3A_254, %dma_start3A_255] : memref<3x512x64xf32, #tpu.memory_space<vmem>> -> memref<1x512x64xf32, #tpu.memory_space<vmem>>
    %dma_start3A_257 = tpu.memref_squeeze %dma_start3A_256 : memref<1x512x64xf32, #tpu.memory_space<vmem>> -> memref<512x64xf32, #tpu.memory_space<vmem>>
    %dma_start3A_258 = arith.constant 0 : i32
    %dma_start3A_259 = arith.constant 0 : i32
    %dma_start3A_260 = tpu.memref_slice %arg4[%add3A_251, %dma_start3A_258, %dma_start3A_259] : memref<1600x512x64xf32, #tpu.memory_space<hbm>> -> memref<1x512x64xf32, #tpu.memory_space<hbm>>
    %dma_start3A_261 = tpu.memref_squeeze %dma_start3A_260 : memref<1x512x64xf32, #tpu.memory_space<hbm>> -> memref<512x64xf32, #tpu.memory_space<hbm>>
    %dma_start3A_262 = tpu.memref_slice %arg8[%dma_start3A_253] : memref<3x!tpu.dma_semaphore, #tpu.memory_space<semaphore_mem>> -> memref<1x!tpu.dma_semaphore, #tpu.memory_space<semaphore_mem>>
    %dma_start3A_263 = tpu.memref_squeeze %dma_start3A_262 : memref<1x!tpu.dma_semaphore, #tpu.memory_space<semaphore_mem>> -> memref<!tpu.dma_semaphore, #tpu.memory_space<semaphore_mem>>
    %dma_start3A_264 = arith.constant 0 : i32
    %dma_start3A_265 = arith.constant 0 : i32
    %dma_start3A_266 = tpu.memref_slice %arg4[%add3A_251, %dma_start3A_264, %dma_start3A_265] : memref<1600x512x64xf32, #tpu.memory_space<hbm>> -> memref<1x512x64xf32, #tpu.memory_space<hbm>>
    %dma_start3A_267 = tpu.memref_squeeze %dma_start3A_266 : memref<1x512x64xf32, #tpu.memory_space<hbm>> -> memref<512x64xf32, #tpu.memory_space<hbm>>
    %dma_start3A_268 = arith.constant 0 : i32
    %dma_start3A_269 = arith.constant 0 : i32
    %dma_start3A_270 = tpu.memref_slice %arg6[%dma_start3A_252, %dma_start3A_268, %dma_start3A_269] : memref<3x512x64xf32, #tpu.memory_space<vmem>> -> memref<1x512x64xf32, #tpu.memory_space<vmem>>
    %dma_start3A_271 = tpu.memref_squeeze %dma_start3A_270 : memref<1x512x64xf32, #tpu.memory_space<vmem>> -> memref<512x64xf32, #tpu.memory_space<vmem>>
    tpu.enqueue_dma source(%dma_start3A_271 : memref<512x64xf32, #tpu.memory_space<vmem>>) target(%dma_start3A_267 : memref<512x64xf32, #tpu.memory_space<hbm>>) target_semaphore(%dma_start3A_263 : memref<!tpu.dma_semaphore, #tpu.memory_space<semaphore_mem>>)
    %dma_wait3A_272 = arith.constant 49 : i32
    %dma_wait3A_273 = arith.constant 1 : i32
    %dma_wait3A_274 = arith.constant 1 : i32
    %dma_wait3A_275 = arith.constant 0 : i32
    %dma_wait3A_276 = arith.constant 0 : i32
    %dma_wait3A_277 = tpu.memref_slice %arg6[%dma_wait3A_273, %dma_wait3A_275, %dma_wait3A_276] : memref<3x512x64xf32, #tpu.memory_space<vmem>> -> memref<1x512x64xf32, #tpu.memory_space<vmem>>
    %dma_wait3A_278 = tpu.memref_squeeze %dma_wait3A_277 : memref<1x512x64xf32, #tpu.memory_space<vmem>> -> memref<512x64xf32, #tpu.memory_space<vmem>>
    %dma_wait3A_279 = arith.constant 0 : i32
    %dma_wait3A_280 = tpu.memref_slice %arg5[%dma_wait3A_272, %dma_wait3A_279] : memref<50x512xi32, #tpu.memory_space<vmem>> -> memref<1x512xi32, #tpu.memory_space<vmem>>
    %dma_wait3A_281 = tpu.memref_squeeze %dma_wait3A_280 : memref<1x512xi32, #tpu.memory_space<vmem>> -> memref<512xi32, #tpu.memory_space<vmem>>
    %dma_wait3A_282 = arith.constant 0 : i32
    %dma_wait3A_283 = arith.constant 0 : i32
    %dma_wait3A_284 = tpu.memref_slice %arg3[%dma_wait3A_282, %dma_wait3A_283] : memref<1000000x64xf32, #tpu.memory_space<hbm>> -> memref<1000000x64xf32, #tpu.memory_space<hbm>>
    %dma_wait3A_285 = tpu.memref_slice %arg7[%dma_wait3A_274] : memref<3x!tpu.dma_semaphore, #tpu.memory_space<semaphore_mem>> -> memref<1x!tpu.dma_semaphore, #tpu.memory_space<semaphore_mem>>
    %dma_wait3A_286 = tpu.memref_squeeze %dma_wait3A_285 : memref<1x!tpu.dma_semaphore, #tpu.memory_space<semaphore_mem>> -> memref<!tpu.dma_semaphore, #tpu.memory_space<semaphore_mem>>
    tpu.wait_indirect_dma semaphore(%dma_wait3A_286 : memref<!tpu.dma_semaphore, #tpu.memory_space<semaphore_mem>>) src(%dma_wait3A_284 : memref<1000000x64xf32, #tpu.memory_space<hbm>>) dst(%dma_wait3A_278 : memref<512x64xf32, #tpu.memory_space<vmem>>)
    %add3A_287 = arith.constant 49 : i32
    %add3A_288 = arith.addi %mul3A_2, %add3A_287 : i32
    %dma_start3A_289 = arith.constant 1 : i32
    %dma_start3A_290 = arith.constant 1 : i32
    %dma_start3A_291 = arith.constant 0 : i32
    %dma_start3A_292 = arith.constant 0 : i32
    %dma_start3A_293 = tpu.memref_slice %arg6[%dma_start3A_289, %dma_start3A_291, %dma_start3A_292] : memref<3x512x64xf32, #tpu.memory_space<vmem>> -> memref<1x512x64xf32, #tpu.memory_space<vmem>>
    %dma_start3A_294 = tpu.memref_squeeze %dma_start3A_293 : memref<1x512x64xf32, #tpu.memory_space<vmem>> -> memref<512x64xf32, #tpu.memory_space<vmem>>
    %dma_start3A_295 = arith.constant 0 : i32
    %dma_start3A_296 = arith.constant 0 : i32
    %dma_start3A_297 = tpu.memref_slice %arg4[%add3A_288, %dma_start3A_295, %dma_start3A_296] : memref<1600x512x64xf32, #tpu.memory_space<hbm>> -> memref<1x512x64xf32, #tpu.memory_space<hbm>>
    %dma_start3A_298 = tpu.memref_squeeze %dma_start3A_297 : memref<1x512x64xf32, #tpu.memory_space<hbm>> -> memref<512x64xf32, #tpu.memory_space<hbm>>
    %dma_start3A_299 = tpu.memref_slice %arg8[%dma_start3A_290] : memref<3x!tpu.dma_semaphore, #tpu.memory_space<semaphore_mem>> -> memref<1x!tpu.dma_semaphore, #tpu.memory_space<semaphore_mem>>
    %dma_start3A_300 = tpu.memref_squeeze %dma_start3A_299 : memref<1x!tpu.dma_semaphore, #tpu.memory_space<semaphore_mem>> -> memref<!tpu.dma_semaphore, #tpu.memory_space<semaphore_mem>>
    %dma_start3A_301 = arith.constant 0 : i32
    %dma_start3A_302 = arith.constant 0 : i32
    %dma_start3A_303 = tpu.memref_slice %arg4[%add3A_288, %dma_start3A_301, %dma_start3A_302] : memref<1600x512x64xf32, #tpu.memory_space<hbm>> -> memref<1x512x64xf32, #tpu.memory_space<hbm>>
    %dma_start3A_304 = tpu.memref_squeeze %dma_start3A_303 : memref<1x512x64xf32, #tpu.memory_space<hbm>> -> memref<512x64xf32, #tpu.memory_space<hbm>>
    %dma_start3A_305 = arith.constant 0 : i32
    %dma_start3A_306 = arith.constant 0 : i32
    %dma_start3A_307 = tpu.memref_slice %arg6[%dma_start3A_289, %dma_start3A_305, %dma_start3A_306] : memref<3x512x64xf32, #tpu.memory_space<vmem>> -> memref<1x512x64xf32, #tpu.memory_space<vmem>>
    %dma_start3A_308 = tpu.memref_squeeze %dma_start3A_307 : memref<1x512x64xf32, #tpu.memory_space<vmem>> -> memref<512x64xf32, #tpu.memory_space<vmem>>
    tpu.enqueue_dma source(%dma_start3A_308 : memref<512x64xf32, #tpu.memory_space<vmem>>) target(%dma_start3A_304 : memref<512x64xf32, #tpu.memory_space<hbm>>) target_semaphore(%dma_start3A_300 : memref<!tpu.dma_semaphore, #tpu.memory_space<semaphore_mem>>)
    %add3A_309 = arith.constant 47 : i32
    %add3A_310 = arith.addi %mul3A_2, %add3A_309 : i32
    %dma_wait3A_311 = arith.constant 2 : i32
    %dma_wait3A_312 = arith.constant 2 : i32
    %dma_wait3A_313 = arith.constant 0 : i32
    %dma_wait3A_314 = arith.constant 0 : i32
    %dma_wait3A_315 = tpu.memref_slice %arg6[%dma_wait3A_311, %dma_wait3A_313, %dma_wait3A_314] : memref<3x512x64xf32, #tpu.memory_space<vmem>> -> memref<1x512x64xf32, #tpu.memory_space<vmem>>
    %dma_wait3A_316 = tpu.memref_squeeze %dma_wait3A_315 : memref<1x512x64xf32, #tpu.memory_space<vmem>> -> memref<512x64xf32, #tpu.memory_space<vmem>>
    %dma_wait3A_317 = arith.constant 0 : i32
    %dma_wait3A_318 = arith.constant 0 : i32
    %dma_wait3A_319 = tpu.memref_slice %arg4[%add3A_310, %dma_wait3A_317, %dma_wait3A_318] : memref<1600x512x64xf32, #tpu.memory_space<hbm>> -> memref<1x512x64xf32, #tpu.memory_space<hbm>>
    %dma_wait3A_320 = tpu.memref_squeeze %dma_wait3A_319 : memref<1x512x64xf32, #tpu.memory_space<hbm>> -> memref<512x64xf32, #tpu.memory_space<hbm>>
    %dma_wait3A_321 = tpu.memref_slice %arg8[%dma_wait3A_312] : memref<3x!tpu.dma_semaphore, #tpu.memory_space<semaphore_mem>> -> memref<1x!tpu.dma_semaphore, #tpu.memory_space<semaphore_mem>>
    %dma_wait3A_322 = tpu.memref_squeeze %dma_wait3A_321 : memref<1x!tpu.dma_semaphore, #tpu.memory_space<semaphore_mem>> -> memref<!tpu.dma_semaphore, #tpu.memory_space<semaphore_mem>>
    %dma_wait3A_323 = arith.constant 0 : i32
    %dma_wait3A_324 = arith.constant 0 : i32
    %dma_wait3A_325 = tpu.memref_slice %arg4[%add3A_310, %dma_wait3A_323, %dma_wait3A_324] : memref<1600x512x64xf32, #tpu.memory_space<hbm>> -> memref<1x512x64xf32, #tpu.memory_space<hbm>>
    %dma_wait3A_326 = tpu.memref_squeeze %dma_wait3A_325 : memref<1x512x64xf32, #tpu.memory_space<hbm>> -> memref<512x64xf32, #tpu.memory_space<hbm>>
    %dma_wait3A_327 = arith.constant 0 : i32
    %dma_wait3A_328 = arith.constant 0 : i32
    %dma_wait3A_329 = tpu.memref_slice %arg6[%dma_wait3A_311, %dma_wait3A_327, %dma_wait3A_328] : memref<3x512x64xf32, #tpu.memory_space<vmem>> -> memref<1x512x64xf32, #tpu.memory_space<vmem>>
    %dma_wait3A_330 = tpu.memref_squeeze %dma_wait3A_329 : memref<1x512x64xf32, #tpu.memory_space<vmem>> -> memref<512x64xf32, #tpu.memory_space<vmem>>
    tpu.wait_dma2 semaphore(%dma_wait3A_322 : memref<!tpu.dma_semaphore, #tpu.memory_space<semaphore_mem>>) src(%dma_wait3A_330 : memref<512x64xf32, #tpu.memory_space<vmem>>) dst(%dma_wait3A_326 : memref<512x64xf32, #tpu.memory_space<hbm>>)
    %add3A_331 = arith.constant 48 : i32
    %add3A_332 = arith.addi %mul3A_2, %add3A_331 : i32
    %dma_wait3A_333 = arith.constant 0 : i32
    %dma_wait3A_334 = arith.constant 0 : i32
    %dma_wait3A_335 = arith.constant 0 : i32
    %dma_wait3A_336 = arith.constant 0 : i32
    %dma_wait3A_337 = tpu.memref_slice %arg6[%dma_wait3A_333, %dma_wait3A_335, %dma_wait3A_336] : memref<3x512x64xf32, #tpu.memory_space<vmem>> -> memref<1x512x64xf32, #tpu.memory_space<vmem>>
    %dma_wait3A_338 = tpu.memref_squeeze %dma_wait3A_337 : memref<1x512x64xf32, #tpu.memory_space<vmem>> -> memref<512x64xf32, #tpu.memory_space<vmem>>
    %dma_wait3A_339 = arith.constant 0 : i32
    %dma_wait3A_340 = arith.constant 0 : i32
    %dma_wait3A_341 = tpu.memref_slice %arg4[%add3A_332, %dma_wait3A_339, %dma_wait3A_340] : memref<1600x512x64xf32, #tpu.memory_space<hbm>> -> memref<1x512x64xf32, #tpu.memory_space<hbm>>
    %dma_wait3A_342 = tpu.memref_squeeze %dma_wait3A_341 : memref<1x512x64xf32, #tpu.memory_space<hbm>> -> memref<512x64xf32, #tpu.memory_space<hbm>>
    %dma_wait3A_343 = tpu.memref_slice %arg8[%dma_wait3A_334] : memref<3x!tpu.dma_semaphore, #tpu.memory_space<semaphore_mem>> -> memref<1x!tpu.dma_semaphore, #tpu.memory_space<semaphore_mem>>
    %dma_wait3A_344 = tpu.memref_squeeze %dma_wait3A_343 : memref<1x!tpu.dma_semaphore, #tpu.memory_space<semaphore_mem>> -> memref<!tpu.dma_semaphore, #tpu.memory_space<semaphore_mem>>
    %dma_wait3A_345 = arith.constant 0 : i32
    %dma_wait3A_346 = arith.constant 0 : i32
    %dma_wait3A_347 = tpu.memref_slice %arg4[%add3A_332, %dma_wait3A_345, %dma_wait3A_346] : memref<1600x512x64xf32, #tpu.memory_space<hbm>> -> memref<1x512x64xf32, #tpu.memory_space<hbm>>
    %dma_wait3A_348 = tpu.memref_squeeze %dma_wait3A_347 : memref<1x512x64xf32, #tpu.memory_space<hbm>> -> memref<512x64xf32, #tpu.memory_space<hbm>>
    %dma_wait3A_349 = arith.constant 0 : i32
    %dma_wait3A_350 = arith.constant 0 : i32
    %dma_wait3A_351 = tpu.memref_slice %arg6[%dma_wait3A_333, %dma_wait3A_349, %dma_wait3A_350] : memref<3x512x64xf32, #tpu.memory_space<vmem>> -> memref<1x512x64xf32, #tpu.memory_space<vmem>>
    %dma_wait3A_352 = tpu.memref_squeeze %dma_wait3A_351 : memref<1x512x64xf32, #tpu.memory_space<vmem>> -> memref<512x64xf32, #tpu.memory_space<vmem>>
    tpu.wait_dma2 semaphore(%dma_wait3A_344 : memref<!tpu.dma_semaphore, #tpu.memory_space<semaphore_mem>>) src(%dma_wait3A_352 : memref<512x64xf32, #tpu.memory_space<vmem>>) dst(%dma_wait3A_348 : memref<512x64xf32, #tpu.memory_space<hbm>>)
    %add3A_353 = arith.constant 49 : i32
    %add3A_354 = arith.addi %mul3A_2, %add3A_353 : i32
    %dma_wait3A_355 = arith.constant 1 : i32
    %dma_wait3A_356 = arith.constant 1 : i32
    %dma_wait3A_357 = arith.constant 0 : i32
    %dma_wait3A_358 = arith.constant 0 : i32
    %dma_wait3A_359 = tpu.memref_slice %arg6[%dma_wait3A_355, %dma_wait3A_357, %dma_wait3A_358] : memref<3x512x64xf32, #tpu.memory_space<vmem>> -> memref<1x512x64xf32, #tpu.memory_space<vmem>>
    %dma_wait3A_360 = tpu.memref_squeeze %dma_wait3A_359 : memref<1x512x64xf32, #tpu.memory_space<vmem>> -> memref<512x64xf32, #tpu.memory_space<vmem>>
    %dma_wait3A_361 = arith.constant 0 : i32
    %dma_wait3A_362 = arith.constant 0 : i32
    %dma_wait3A_363 = tpu.memref_slice %arg4[%add3A_354, %dma_wait3A_361, %dma_wait3A_362] : memref<1600x512x64xf32, #tpu.memory_space<hbm>> -> memref<1x512x64xf32, #tpu.memory_space<hbm>>
    %dma_wait3A_364 = tpu.memref_squeeze %dma_wait3A_363 : memref<1x512x64xf32, #tpu.memory_space<hbm>> -> memref<512x64xf32, #tpu.memory_space<hbm>>
    %dma_wait3A_365 = tpu.memref_slice %arg8[%dma_wait3A_356] : memref<3x!tpu.dma_semaphore, #tpu.memory_space<semaphore_mem>> -> memref<1x!tpu.dma_semaphore, #tpu.memory_space<semaphore_mem>>
    %dma_wait3A_366 = tpu.memref_squeeze %dma_wait3A_365 : memref<1x!tpu.dma_semaphore, #tpu.memory_space<semaphore_mem>> -> memref<!tpu.dma_semaphore, #tpu.memory_space<semaphore_mem>>
    %dma_wait3A_367 = arith.constant 0 : i32
    %dma_wait3A_368 = arith.constant 0 : i32
    %dma_wait3A_369 = tpu.memref_slice %arg4[%add3A_354, %dma_wait3A_367, %dma_wait3A_368] : memref<1600x512x64xf32, #tpu.memory_space<hbm>> -> memref<1x512x64xf32, #tpu.memory_space<hbm>>
    %dma_wait3A_370 = tpu.memref_squeeze %dma_wait3A_369 : memref<1x512x64xf32, #tpu.memory_space<hbm>> -> memref<512x64xf32, #tpu.memory_space<hbm>>
    %dma_wait3A_371 = arith.constant 0 : i32
    %dma_wait3A_372 = arith.constant 0 : i32
    %dma_wait3A_373 = tpu.memref_slice %arg6[%dma_wait3A_355, %dma_wait3A_371, %dma_wait3A_372] : memref<3x512x64xf32, #tpu.memory_space<vmem>> -> memref<1x512x64xf32, #tpu.memory_space<vmem>>
    %dma_wait3A_374 = tpu.memref_squeeze %dma_wait3A_373 : memref<1x512x64xf32, #tpu.memory_space<vmem>> -> memref<512x64xf32, #tpu.memory_space<vmem>>
    tpu.wait_dma2 semaphore(%dma_wait3A_366 : memref<!tpu.dma_semaphore, #tpu.memory_space<semaphore_mem>>) src(%dma_wait3A_374 : memref<512x64xf32, #tpu.memory_space<vmem>>) dst(%dma_wait3A_370 : memref<512x64xf32, #tpu.memory_space<hbm>>)
    return
  }
}

</mosaic_0001>

<sc_bundles>
// kernel: kernel.3.cloned.1.call-start
scs
__scs_entry_jumppad:
0x0: {  	(pc) =	sbr.rel $0x88, $3  }
0x1: {  	(tag) =	ssettag $0x0;
	lr =	simm.s32 $0x1  }
0x2: {  	[smem:$0x3F9F] =	sst lr;
	_ =	strace $0xD0000000  }
0x3: {  	_ = 	snop  }
0x4: {  	_ = 	snop  }
0x5: {  	_ = 	snop  }
0x6: {  	_ = 	snop  }
0x7: {  	_ = 	snop  }
__scs_overlays_trampoline_lowered:
0x8: {  	[smem:$0x3FAE] =	sst s0  }
0x9: {  	[smem:$0x3FAF] =	sst s1  }
0xa: {  	[smem:$0x3FB0] =	sst s2  }
0xb: {  	[smem:$0x3FB1] =	sst s3  }
0xc: {  	[smem:$0x3FB2] =	sst s4  }
0xd: {  	[smem:$0x3FB3] =	sst s5  }
0xe: {  	[smem:$0x3FB4] =	sst s6  }
0xf: {  	[smem:$0x3FB5] =	sst s7  }
0x10: {  	[smem:$0x3FB6] =	sst s8  }
0x11: {  	[smem:$0x3FB7] =	sst s9;
	s0 =	simm.s32 @!p0 $0x0  }
0x12: {  	s1 =	sld [smem:$0x3F9D];
	s0 =	simm.s32 @p0 $0x1  }
0x13: {  	[smem:$0x3FB8] =	sst s0;
	s0 =	simm.s32 @!p1 $0x0  }
0x14: {  	s2 =	sld [smem:$0x3F9C];
	s0 =	simm.s32 @p1 $0x1  }
0x15: {  	[smem:$0x3FB9] =	sst s0;
	s0 =	simm.s32 @!p2 $0x0  }
0x16: {  	s3 =	sld [smem:$0x3FDB];
	s0 =	simm.s32 @p2 $0x1  }
0x17: {  	s4 =	simm.s32 $0x1BF5;
	[smem:$0x3FBB] =	sst s0  }
0x18: {  	s0 =	sld [smem:$0x3F9E];
	_ =	swait.ge [sflag:s4], $0x0  }
0x19: {  	s7 =	sld [smem:$0x3F9F]  }
0x1a: {  	s8 =	sadd.s32 $0xFFFFE003, lr  }
0x1b: {  	s9 =	sadd.s32 $0xFFFFFEF7, lr;
	s5 =	simm.s32 $0xFFFFFFFF;
	p2 =	slt.u32 s8, $0xFFFFF086  }
0x1c: {  	p1 =	slt.u32 s9, $0xF7A;
	s5 =	simm.s32 @!p2 $0x0  }
0x1d: {  	s5 =	simm.s32 @p1 $0x1;
	p0 =	seq.s32 s7, s2  }
0x1e: {  	s7 =	smul.u32 @!p0 $0xF7A, s2;
	p2 =	seq.s32 @!p0 s5, $0x0  }
0x1f: {  	s9 =	smul.u32 $0xF7A, s1;
	s8 =	simm.s32 @!p0 $0x1BF5;
	p2 =	por !p2, p0  }
0x20: {  	[sflag:s8] =	ssyncset.s32 @!p0 $0xFFFFF086;
	s6 =	sadd.s32 @!p0 s3, s7;
	s7 =	simm.s32 @!p0 $0x108  }
0x21: {  	s3 =	sadd.s32 s3, s9;
	s6 =	sadd.s32 @!p0 $0x88, s6;
	s7 =	simm.s32 @p2 $0x1082  }
0x22: {  	[simem:s7], [sflag:s8] =	dma.local @!p0 [hbm:s6], $0xF7A  }
0x23: {  	s9 =	sor.u32 $0xD0000000, s2;
	s6 =	simm.s32 $0x108;
	_ =	swait.ge @!p0 [sflag:s8], $0x0  }
0x24: {  	s3 =	sadd.s32 $0x88, s3;
	s6 =	simm.s32 @!p1 $0x1082;
	[sflag:s4] =	ssyncset.s32 $0xFFFFF086  }
0x25: {  	[simem:s6], [sflag:s4] =	dma.local [hbm:s3], $0xF7A  }
0x26: {  	[smem:$0x3F9F] =	sst s1;
	(tag) =	ssettag s2;
	_ =	strace s9  }
0x27: {  	s1 =	sld [smem:$0x3FAF]  }
0x28: {  	s2 =	sld [smem:$0x3FB0]  }
0x29: {  	s4 =	sld [smem:$0x3FB2]  }
0x2a: {  	p0 =	seq.s32 s5, $0x0;
	s5 =	sld [smem:$0x3FB3]  }
0x2b: {  	s6 =	sld [smem:$0x3FB4]  }
0x2c: {  	s7 =	sld [smem:$0x3FB5]  }
0x2d: {  	s3 =	simm.s32 $0x108;
	s8 =	sld [smem:$0x3FB6]  }
0x2e: {  	s3 =	simm.s32 @!p0 $0x1082;
	s9 =	sld [smem:$0x3FB7]  }
0x2f: {  	lr =	sadd.s32 s0, s3;
	s0 =	sld [smem:$0x3FAE]  }
0x30: {  	s3 =	sld [smem:$0x3FB1]  }
0x31: {  	[smem:$0x3FBA] =	sst s10  }
0x32: {  	s10 =	sld [smem:$0x3FB8];
	_ =	sdelay $0x3  }
0x33: {  	p0 =	seq.s32 s10, $0x1;
	s10 =	sld [smem:$0x3FBA];
	_ =	sdelay $0x3  }
0x34: {  	[smem:$0x3FBA] =	sst s10  }
0x35: {  	s10 =	sld [smem:$0x3FB9];
	_ =	sdelay $0x3  }
0x36: {  	p1 =	seq.s32 s10, $0x1;
	s10 =	sld [smem:$0x3FBA];
	_ =	sdelay $0x3  }
0x37: {  	[smem:$0x3FBA] =	sst s10  }
0x38: {  	s10 =	sld [smem:$0x3FBB]  }
0x39: {  	_ = 	snop;
	(pc) =	sbr.ind lr, $3  }
0x3a: {  	_ = 	snop  }
0x3b: {  	_ = 	snop  }
0x3c: {  	p2 =	seq.s32 s10, $0x1;
	s10 =	sld [smem:$0x3FBA]  }
0x3d: {  	_ =	shalt  }
0x3e: {  	_ =	shalt  }
0x3f: {  	_ =	shalt  }
0x40: {  	_ =	shalt  }
0x41: {  	_ =	shalt  }
0x42: {  	_ =	shalt  }
0x43: {  	_ =	shalt  }
0x44: {  	_ =	shalt  }
0x45: {  	_ =	shalt  }
0x46: {  	_ =	shalt  }
0x47: {  	_ =	shalt  }
0x48: {  	_ =	shalt  }
0x49: {  	_ =	shalt  }
0x4a: {  	_ =	shalt  }
0x4b: {  	_ =	shalt  }
0x4c: {  	_ =	shalt  }
0x4d: {  	_ =	shalt  }
0x4e: {  	_ =	shalt  }
0x4f: {  	_ =	shalt  }
0x50: {  	_ =	shalt  }
0x51: {  	_ =	shalt  }
0x52: {  	_ =	shalt  }
0x53: {  	_ =	shalt  }
0x54: {  	_ =	shalt  }
0x55: {  	_ =	shalt  }
0x56: {  	_ =	shalt  }
0x57: {  	_ =	shalt  }
0x58: {  	_ =	shalt  }
0x59: {  	_ =	shalt  }
0x5a: {  	_ =	shalt  }
0x5b: {  	_ =	shalt  }
0x5c: {  	_ =	shalt  }
0x5d: {  	_ =	shalt  }
0x5e: {  	_ =	shalt  }
0x5f: {  	_ =	shalt  }
0x60: {  	_ =	shalt  }
0x61: {  	_ =	shalt  }
0x62: {  	_ =	shalt  }
0x63: {  	_ =	shalt  }
0x64: {  	_ =	shalt  }
0x65: {  	_ =	shalt  }
0x66: {  	_ =	shalt  }
0x67: {  	_ =	shalt  }
0x68: {  	_ =	shalt  }
0x69: {  	_ =	shalt  }
0x6a: {  	_ =	shalt  }
0x6b: {  	_ =	shalt  }
0x6c: {  	_ =	shalt  }
0x6d: {  	_ =	shalt  }
0x6e: {  	_ =	shalt  }
0x6f: {  	_ =	shalt  }
0x70: {  	_ =	shalt  }
0x71: {  	_ =	shalt  }
0x72: {  	_ =	shalt  }
0x73: {  	_ =	shalt  }
0x74: {  	_ =	shalt  }
0x75: {  	_ =	shalt  }
0x76: {  	_ =	shalt  }
0x77: {  	_ =	shalt  }
0x78: {  	_ =	shalt  }
0x79: {  	_ =	shalt  }
0x7a: {  	_ =	shalt  }
0x7b: {  	_ =	shalt  }
0x7c: {  	_ =	shalt  }
0x7d: {  	_ =	shalt  }
0x7e: {  	_ =	shalt  }
0x7f: {  	_ =	shalt  }
0x80: {  	_ =	shalt  }
0x81: {  	_ =	shalt  }
0x82: {  	_ =	shalt  }
0x83: {  	_ =	shalt  }
0x84: {  	_ =	shalt  }
0x85: {  	_ =	shalt  }
0x86: {  	_ =	shalt  }
0x87: {  	_ =	shalt  }
.Lfunc_end0:
.L_simem_size_0:
called_computation.1_lowered:
.L_overlay_start_0:
0x88: {  	s2 =	sld [smem:$0x3FD9]  }
0x89: {  	s3 =	sld [smem:$0x3FFE];
	_ =	sdelay $0x1  }
0x8a: {  	s1 =	srdreg.scid  }
0x8b: {  	s0 =	sand.u32 $0x1, s1  }
0x8c: {  	s17 =	sshll.u32 s0, $0xA;
	s2 =	sadd.s32 s3, s2  }
0x8d: {  	s2 =	sadd.s32 s2, s17  }
0x8e: {  	[smem:$0x3FC6] =	sst s2  }
0x8f: {  	_ = 	snop  }
0x90: {  	s2 =	sld [smem:$0x3FD0];
	(tm) =	ssettm $0x1  }
0x91: {  	s18 =	sld [smem:$0x3FFB];
	_ =	sdelay $0x3  }
0x92: {  	_ =	strace s18  }
0x93: {  	s3 =	sld [smem:$0x3FFC];
	_ =	sdelay $0x3  }
0x94: {  	_ =	strace s3  }
0x95: {  	s3 =	sld [smem:$0x3FFD];
	_ =	sdelay $0x3  }
0x96: {  	_ =	strace s3  }
0x97: {  	_ =	strace $0x8FFFFFFF  }
0x98: {  	s19 =	sld [smem:$0x3FDB];
	_ =	sdelay $0x1  }
0x99: {  	s4 =	simm.s32 $_scs_section_size  }
0x9a: {  	s5 =	simm.s32 $_size__tile_overlayer_lowered;
	s6 =	simm.s32 $_tile_overlayer_lowered  }
0x9b: {  	s22 =	simm.s32 $0x1BFF;
	s21 =	sshll.u32 s6, $0x1;
	s3 =	sadd.s32 s4, s19  }
0x9c: {  	s7 =	simm.s32 $0x0;
	s20 =	sshll.u32 s5, $0x1;
	s5 =	sadd.s32 s21, s3  }
0x9d: {  	[timem:s7], [sflag:s22] =	dma.local [hbm:s5], s20  }
0x9e: {  	_ =	swait.ge [sflag:s22], s20  }
0x9f: {  	s4 =	ssub.s32 $0x0, s20;
	[sflag:s22] =	ssyncset.done $0x0  }
0xa0: {  	[sflag:s22] =	ssyncadd.s32 s4;
	_ =	sdelay $0x1  }
0xa1: {  	s23 =	simm.s32 $0x1B8B  }
0xa2: {  	_ =	swait.ge [sflag:s23], $0x1  }
0xa3: {  	[sflag:s23] =	ssyncset.done $0x0  }
0xa4: {  	s25 =	simm.s32 $0x1B8E;
	s24 =	sld [smem:$0x3FFE];
	[sflag:s23] =	ssyncadd.s32 $0xFFFFFFFF  }
0xa5: {  	s26 =	simm.s32 $execute0_lowered;
	[smem:$0x3FD2] =	sst s25  }
0xa6: {  	s5 =	sshll.u32 s26, $0x1;
	_ =	strace $0x80000046;
	[dreg:$0x1] =	wrdreg $0xFFFFFFFF  }
0xa7: {  	s28 =	simm.s32 $_size_execute0_lowered;
	s3 =	sadd.s32 s3, s5;
	[dreg:$0x0] =	wrdreg $0x0  }
0xa8: {  	s5 =	sshll.u32 s28, $0x1;
	[dreg:$0x2] =	wrdreg s3  }
0xa9: {  	[dreg:$0x3] =	wrdreg s5  }
0xaa: {  	[dreg:$0x4] =	wrdreg $0xC0  }
0xab: {  	_ =	task [dreg:s7], $0x5FFFF  }
0xac: {  	[dreg:$0x1] =	wrdreg $0xFFFFFFFF  }
0xad: {  	[dreg:$0x0] =	wrdreg $0x60  }
0xae: {  	[dreg:$0x2] =	wrdreg s24  }
0xaf: {  	[dreg:$0x3] =	wrdreg s2  }
0xb0: {  	[dreg:$0x4] =	wrdreg $0x9  }
0xb1: {  	_ =	task.clear_ibuf [dreg:s7], $0x5FFFF;
	_ =	strace $0x90000046  }
0xb2: {  	s29 =	simm.s32 $0x9;
	_ =	strace $0x80000048  }
0xb3: {  	_ =	swait.ge [sflag:s29], $0x1  }
0xb4: {  	[sflag:s29] =	ssyncadd.s32 $0xFFFFFFFF  }
0xb5: {  	_ =	strace $0x90000048  }
0xb6: {  	_ =	sfence  }
0xb7: {  	s30 =	sld [smem:$0x0];
	_ =	sdelay $0x2  }
0xb8: {  	s31 =	sshll.u32 s1, $0xD;
	s1 =	sshrl.u32 s1, $0x2  }
0xb9: {  	s3 =	sand.u32 $0x4000, s31;
	s1 =	sadd.s32 s1, s30  }
0xba: {  	s0 =	sor.u32 s3, s0;
	s1 =	sshll.u32 s1, $0x11  }
0xbb: {  	s0 =	sor.u32 s1, s0  }
0xbc: {  	s0 =	sadd.s32 $0x8F2B, s0  }
0xbd: {  	[sflag:s0] =	ssyncadd.remote.s32 $0x1  }
0xbe: {  	_ =	sfence.sel $0xFFFF  }
0xbf: {  	[dreg:$0x0] =	wrdreg $0xFFFFFFFF;
	(pc) =	sbr.abs _section_cstart, $3  }
0xc0: {  	[dreg:$0x1] =	wrdreg $0xFFFFFFFF  }
0xc1: {  	_ =	task.clear_ibuf [dreg:s7], $0x2FFFF;
	_ =	strace $0x9FFFFFFF  }
0xc2: {  	(tm) =	ssettm $0x7FFFFFFF  }
0xc3: {  	_ =	shalt  }
tec
execute0_lowered:
.L_overlay_start_1:
0x0: {  	(tag) =	ssettag $0x1  }
0x1: {  	s0 =	srdreg.scid;
	s1 =	rddreg [dreg:$0x0]  }
0x2: {  	s9 =	stileid.u32;
	s11 =	rddreg [dreg:$0x1];
	s14 =	simm.s32 $0x7  }
0x3: {  	s15 =	simm.s32 $0x200;
	s16 =	simm.s32 $0x6400;
	s17 =	simm.s32 $0xE400  }
0x4: {  	s18 =	simm.s32 $0x1;
	s20 =	simm.s32 $0x16400;
	s21 =	simm.s32 $0x2  }
0x5: {  	s22 =	simm.s32 $0x4;
	s23 =	simm.s32 $0x3;
	s24 =	simm.s32 $0x5  }
0x6: {  	s0 =	sand.u32 $0x1, s0;
	s2 =	sshll.u32 s9, $0x1;
	s9 =	smul.u32 $0x64, s9  }
0x7: {  	s3 =	sor.u32 s0, s2;
	s6 =	ssub.s32 $0x2, s0;
	s0 =	smul.u32 $0x32, s0  }
0x8: {  	s25 =	simm.s32 $0x6;
	s2 =	simm.s32 $0x0;
	s4 =	smul.u32 $0xC80, s3  }
0x9: {  	s29 =	simm.s32 $0x0;
	[smem:$0x7FF] =	sst s2;
	s5 =	smul.u32 $0x32000, s3  }
0xa: {  	s7 =	smul.u32 $0x190000, s3;
	s8 =	sshrl.u32 s6, $0x1;
	s3 =	sadd.s32 $0xF42E00, s1  }
0xb: {  	_ =	strace $0x80000047;
	s31 =	ssub.s32 s6, s8;
	s0 =	sadd.s32 s0, s9  }
0xc: {  	s4 =	sadd.s32 s4, s1;
	s5 =	sadd.s32 s11, s5;
	s7 =	sshrl.u32 s7, $0x3  }
0xd: {  	s0 =	sshll.u32 s0, $0xC;
	s4 =	sadd.s32 $0xA00, s4;
	s10 =	sadd.s32 s11, s7  }
0xe: {  	s6 =	sadd.s32 $0x1000, s5;
	s0 =	sadd.s32 s0, s11;
	s7 =	sadd.s32 $0x2F000, s10  }
0xf: {  	s8 =	sadd.s32 $0x30000, s10;
	s9 =	sadd.s32 $0x31000, s10;
	s10 =	smax.u32 s31, $0x1  }
0x10: {  	s11 =	sadd.s32 $0x2000, s0;
	s19 =	sadd.s32 $0x4000, s0;
	s13 =	sadd.s32 $0x3000, s0  }
.LBB2_1:
0x11: {  	[tilespmem:s2], [sflag:$0x7] =	stream.linear.gather [hbm4b:s4+s2], $0x6400, $0x38;
	[tilespmem:$0x1E400] =	vst v63  }
0x12: {  	_ =	swait.ge [sflag:s14], $0x6400  }
0x13: {  	[sflag:s14] =	ssyncset.done $0x0  }
0x14: {  	[sflag:s14] =	ssyncadd.s32 $0xFFFF9C00  }
0x15: {  	[tilespmem:s16], [sflag:$0x1] =	stream.indirect.gather [hbm4b:s3+s15], $0x40, s2, s15, $0xb8;
	[tilespmem:$0x1E400] =	vst v63  }
0x16: {  	_ = 	snop  }
0x17: {  	[tilespmem:s17], [sflag:$0x2] =	stream.indirect.gather [hbm4b:s3+s15], $0x40, s15, s15, $0xb8;
	[tilespmem:$0x1E400] =	vst v63  }
0x18: {  	_ =	swait.ge [sflag:s18], $0x8000  }
0x19: {  	[sflag:s18] =	ssyncset.done $0x0  }
0x1a: {  	[sflag:s18] =	ssyncadd.s32 $0xFFFF8000  }
0x1b: {  	[hbm4b:s5+s2] =	stream.linear.scatter [tilespmem:s16], [sflag:$0x4], $0x8000, $0x38;
	[tilespmem:$0x1E400] =	vst v63  }
0x1c: {  	s0 =	simm.s32 $0x400  }
0x1d: {  	[tilespmem:s20], [sflag:$0x3] =	stream.indirect.gather [hbm4b:s3+s15], $0x40, s0, s15, $0xb8;
	[tilespmem:$0x1E400] =	vst v63  }
0x1e: {  	_ =	swait.ge [sflag:s21], $0x8000  }
0x1f: {  	[sflag:s21] =	ssyncset.done $0x0  }
0x20: {  	[sflag:s21] =	ssyncadd.s32 $0xFFFF8000  }
0x21: {  	[hbm4b:s6+s2] =	stream.linear.scatter [tilespmem:s17], [sflag:$0x5], $0x8000, $0x38;
	[tilespmem:$0x1E400] =	vst v63  }
0x22: {  	_ =	swait.ge [sflag:s22], $0x8000  }
0x23: {  	[sflag:s22] =	ssyncset.done $0x0  }
0x24: {  	s12 =	simm.s32 $0x600;
	[sflag:s22] =	ssyncadd.s32 $0xFFFF8000  }
0x25: {  	[tilespmem:s16], [sflag:$0x1] =	stream.indirect.gather [hbm4b:s3+s15], $0x40, s12, s15, $0xb8;
	[tilespmem:$0x1E400] =	vst v63  }
0x26: {  	_ =	swait.ge [sflag:s23], $0x8000  }
0x27: {  	[sflag:s23] =	ssyncset.done $0x0  }
0x28: {  	[sflag:s23] =	ssyncadd.s32 $0xFFFF8000  }
0x29: {  	[hbm4b:s11+s2] =	stream.linear.scatter [tilespmem:s20], [sflag:$0x6], $0x8000, $0x38;
	[tilespmem:$0x1E400] =	vst v63  }
0x2a: {  	_ =	swait.ge [sflag:s24], $0x8000  }
0x2b: {  	[sflag:s24] =	ssyncset.done $0x0  }
0x2c: {  	s26 =	simm.s32 $0x800;
	[sflag:s24] =	ssyncadd.s32 $0xFFFF8000  }
0x2d: {  	[tilespmem:s17], [sflag:$0x2] =	stream.indirect.gather [hbm4b:s3+s15], $0x40, s26, s15, $0xb8;
	[tilespmem:$0x1E400] =	vst v63  }
0x2e: {  	_ =	swait.ge [sflag:s18], $0x8000  }
0x2f: {  	[sflag:s18] =	ssyncset.done $0x0  }
0x30: {  	[sflag:s18] =	ssyncadd.s32 $0xFFFF8000  }
0x31: {  	[hbm4b:s13+s2] =	stream.linear.scatter [tilespmem:s16], [sflag:$0x4], $0x8000, $0x38;
	[tilespmem:$0x1E400] =	vst v63  }
0x32: {  	_ =	swait.ge [sflag:s25], $0x8000  }
0x33: {  	[sflag:s25] =	ssyncset.done $0x0  }
0x34: {  	s28 =	simm.s32 $0xA00;
	[sflag:s25] =	ssyncadd.s32 $0xFFFF8000  }
0x35: {  	[tilespmem:s20], [sflag:$0x3] =	stream.indirect.gather [hbm4b:s3+s15], $0x40, s28, s15, $0xb8;
	[tilespmem:$0x1E400] =	vst v63  }
0x36: {  	s30 =	simm.s32 $0x1800;
	_ =	swait.ge [sflag:s21], $0x8000  }
0x37: {  	s31 =	sadd.s32 $0x3000, s13;
	s1 =	sadd.s32 $0x3000, s11;
	[sflag:s21] =	ssyncset.done $0x0  }
0x38: {  	s0 =	sadd.s32 $0x3000, s19;
	s12 =	smov.u32 s19;
	[sflag:s21] =	ssyncadd.s32 $0xFFFF8000  }
.LBB2_2:
0x39: {  	[hbm4b:s12+s2] =	stream.linear.scatter [tilespmem:s17], [sflag:$0x5], $0x8000, $0x38;
	[tilespmem:$0x1E400] =	vst v63  }
0x3a: {  	s26 =	smov.u32 s30;
	s12 =	smov.u32 s0  }
0x3b: {  	p0 =	sne.s32 s30, $0x15000;
	s30 =	sadd.s32 $0x1800, s30;
	_ =	swait.ge [sflag:s22], $0x8000  }
0x3c: {  	s26 =	sshra.s32 s26, $0x2;
	[sflag:s22] =	ssyncset.done $0x0  }
0x3d: {  	s28 =	sadd.s32 $0x600, s26;
	[sflag:s22] =	ssyncadd.s32 $0xFFFF8000  }
0x3e: {  	[tilespmem:s16], [sflag:$0x1] =	stream.indirect.gather [hbm4b:s3+s15], $0x40, s28, s15, $0xb8;
	[tilespmem:$0x1E400] =	vst v63  }
0x3f: {  	_ =	swait.ge [sflag:s23], $0x8000  }
0x40: {  	[sflag:s23] =	ssyncset.done $0x0  }
0x41: {  	[sflag:s23] =	ssyncadd.s32 $0xFFFF8000  }
0x42: {  	[hbm4b:s1+s2] =	stream.linear.scatter [tilespmem:s20], [sflag:$0x6], $0x8000, $0x38;
	[tilespmem:$0x1E400] =	vst v63  }
0x43: {  	_ =	swait.ge [sflag:s24], $0x8000  }
0x44: {  	[sflag:s24] =	ssyncset.done $0x0  }
0x45: {  	s28 =	sadd.s32 $0x800, s26;
	[sflag:s24] =	ssyncadd.s32 $0xFFFF8000  }
0x46: {  	[tilespmem:s17], [sflag:$0x2] =	stream.indirect.gather [hbm4b:s3+s15], $0x40, s28, s15, $0xb8;
	[tilespmem:$0x1E400] =	vst v63  }
0x47: {  	_ =	swait.ge [sflag:s18], $0x8000  }
0x48: {  	[sflag:s18] =	ssyncset.done $0x0  }
0x49: {  	[sflag:s18] =	ssyncadd.s32 $0xFFFF8000  }
0x4a: {  	[hbm4b:s31+s2] =	stream.linear.scatter [tilespmem:s16], [sflag:$0x4], $0x8000, $0x38;
	[tilespmem:$0x1E400] =	vst v63  }
0x4b: {  	_ =	swait.ge [sflag:s25], $0x8000  }
0x4c: {  	[sflag:s25] =	ssyncset.done $0x0  }
.Ltmp0:
0x4d: {  	s26 =	sadd.s32 $0xA00, s26;
	[sflag:s25] =	ssyncadd.s32 $0xFFFF8000;
	(pc) =	sbr.rel @p0 .LBB2_2-.Ltmp0, $4  }
0x4e: {  	[tilespmem:s20], [sflag:$0x3] =	stream.indirect.gather [hbm4b:s3+s15], $0x40, s26, s15, $0xb8;
	[tilespmem:$0x1E400] =	vst v63  }
0x4f: {  	_ =	swait.ge [sflag:s21], $0x8000  }
0x50: {  	s31 =	sadd.s32 $0x3000, s31;
	[sflag:s21] =	ssyncset.done $0x0  }
0x51: {  	s0 =	sadd.s32 $0x3000, s0;
	s1 =	sadd.s32 $0x3000, s1;
	[sflag:s21] =	ssyncadd.s32 $0xFFFF8000  }
0x52: {  	[hbm4b:s12+s2] =	stream.linear.scatter [tilespmem:s17], [sflag:$0x5], $0x8000, $0x38;
	[tilespmem:$0x1E400] =	vst v63  }
0x53: {  	_ =	swait.ge [sflag:s22], $0x8000  }
0x54: {  	[sflag:s22] =	ssyncset.done $0x0  }
0x55: {  	s0 =	simm.s32 $0x6000;
	[sflag:s22] =	ssyncadd.s32 $0xFFFF8000  }
0x56: {  	[tilespmem:s16], [sflag:$0x1] =	stream.indirect.gather [hbm4b:s3+s15], $0x40, s0, s15, $0xb8;
	[tilespmem:$0x1E400] =	vst v63  }
0x57: {  	_ =	swait.ge [sflag:s23], $0x8000  }
0x58: {  	[sflag:s23] =	ssyncset.done $0x0  }
0x59: {  	[sflag:s23] =	ssyncadd.s32 $0xFFFF8000  }
0x5a: {  	[hbm4b:s7+s2] =	stream.linear.scatter [tilespmem:s20], [sflag:$0x6], $0x8000, $0x38;
	[tilespmem:$0x1E400] =	vst v63  }
0x5b: {  	_ =	swait.ge [sflag:s24], $0x8000  }
0x5c: {  	[sflag:s24] =	ssyncset.done $0x0  }
0x5d: {  	s31 =	simm.s32 $0x6200;
	[sflag:s24] =	ssyncadd.s32 $0xFFFF8000  }
0x5e: {  	[tilespmem:s17], [sflag:$0x2] =	stream.indirect.gather [hbm4b:s3+s15], $0x40, s31, s15, $0xb8;
	[tilespmem:$0x1E400] =	vst v63  }
0x5f: {  	_ =	swait.ge [sflag:s18], $0x8000  }
0x60: {  	[sflag:s18] =	ssyncset.done $0x0  }
0x61: {  	[sflag:s18] =	ssyncadd.s32 $0xFFFF8000  }
0x62: {  	[hbm4b:s8+s2] =	stream.linear.scatter [tilespmem:s16], [sflag:$0x4], $0x8000, $0x38;
	[tilespmem:$0x1E400] =	vst v63  }
0x63: {  	_ =	swait.ge [sflag:s21], $0x8000  }
0x64: {  	[sflag:s21] =	ssyncset.done $0x0  }
0x65: {  	[sflag:s21] =	ssyncadd.s32 $0xFFFF8000  }
0x66: {  	[hbm4b:s9+s2] =	stream.linear.scatter [tilespmem:s17], [sflag:$0x5], $0x8000, $0x38;
	[tilespmem:$0x1E400] =	vst v63  }
0x67: {  	_ =	swait.ge [sflag:s25], $0x8000  }
0x68: {  	[sflag:s25] =	ssyncset.done $0x0  }
0x69: {  	s29 =	sadd.s32 $0x1, s29;
	[sflag:s25] =	ssyncadd.s32 $0xFFFF8000  }
0x6a: {  	p0 =	sne.s32 s29, s10;
	_ =	swait.ge [sflag:s22], $0x8000  }
.Ltmp1:
0x6b: {  	[sflag:s22] =	ssyncset.done $0x0;
	(pc) =	sbr.rel @p0 .LBB2_1-.Ltmp1, $4  }
0x6c: {  	[sflag:s22] =	ssyncadd.s32 $0xFFFF8000  }
0x6d: {  	_ =	swait.ge [sflag:s24], $0x8000  }
0x6e: {  	[sflag:s24] =	ssyncset.done $0x0  }
0x6f: {  	[sflag:s24] =	ssyncadd.s32 $0xFFFF8000  }
0x70: {  	_ =	sfence.sel $0x180000  }
0x71: {  	[bflag:$0x0] =	sbarrier.arrive $0xFFFF  }
0x72: {  	_ =	strace $0x90000047  }
0x73: {  	s0 =	stileid.u32;
	[bflag:$0x2] =	sbarrier.arrive $0xFFFF  }
0x74: {  	p0 =	sne.s32 s0, $0x0;
	s0 =	rddreg [dreg:$0x2]  }
0x75: {  	s0 =	sadd.s32 @!p0 $0x100000, s0  }
0x76: {  	[sflag:s0] =	ssyncadd.tile.s32 @!p0 $0x1;
	_ =	shalt  }
.Lfunc_end2:
_tile_overlayer_lowered:
.L_overlay_start_2:
0x77: {  	(tag) =	ssettag $0x2  }
0x78: {  	s0 =	rddreg [dreg:$0x0];
	s2 =	stileid.u32  }
0x79: {  	s1 =	rddreg [dreg:$0x1];
	p0 =	sne.s32 s2, $0x0  }
0x7a: {  	s3 =	rddreg [dreg:$0x2];
	[bflag:$0x3] =	sbarrier.arrive $0xFFFF;
	s2 =	simm.s32 @!p0 $0x1C07  }
0x7b: {  	[timem:s3], [sflag:s2] =	dma.local @!p0 [hbm:s0], s1  }
0x7c: {  	s0 =	simm.s32 @!p0 $0x7  }
0x7d: {  	_ =	swait.ge @!p0 [sflag:s0], s1  }
0x7e: {  	s1 =	ssub.s32 @!p0 $0x0, s1;
	[sflag:s0] =	ssyncset.done @!p0 $0x0  }
0x7f: {  	[sflag:s0] =	ssyncadd.s32 @!p0 s1  }
0x80: {  	[bflag:$0x3] =	sbarrier.arrive $0xFFFF  }
0x81: {  	_ =	shalt  }

// kernel: sparse-core-data-format-call.cloned.1.call-start
scs
called_computation_lowered:
.L_overlay_start_0:
0x0: {  	s2 =	sld [smem:$0x3FD9]  }
0x1: {  	s3 =	sld [smem:$0x3FFE];
	_ =	sdelay $0x1  }
0x2: {  	s1 =	srdreg.scid  }
0x3: {  	s0 =	sand.u32 $0x1, s1  }
0x4: {  	s18 =	sshll.u32 s0, $0xA;
	s2 =	sadd.s32 s3, s2  }
0x5: {  	s2 =	sadd.s32 s2, s18  }
0x6: {  	[smem:$0x3FC6] =	sst s2  }
0x7: {  	_ = 	snop  }
0x8: {  	s2 =	sld [smem:$0x3FD0];
	(tm) =	ssettm $0x1  }
0x9: {  	s19 =	sld [smem:$0x3FFB];
	_ =	sdelay $0x3  }
0xa: {  	_ =	strace s19  }
0xb: {  	s3 =	sld [smem:$0x3FFC];
	_ =	sdelay $0x3  }
0xc: {  	_ =	strace s3  }
0xd: {  	s3 =	sld [smem:$0x3FFD];
	_ =	sdelay $0x3  }
0xe: {  	_ =	strace s3  }
0xf: {  	_ =	strace $0x8FFFFFFF  }
0x10: {  	s20 =	sld [smem:$0x3FDB];
	_ =	sdelay $0x1  }
0x11: {  	s4 =	simm.s32 $_scs_section_size  }
0x12: {  	s5 =	simm.s32 $_size__tile_overlayer_lowered;
	s6 =	simm.s32 $_tile_overlayer_lowered  }
0x13: {  	s23 =	simm.s32 $0x1BFF;
	s22 =	sshll.u32 s6, $0x1;
	s3 =	sadd.s32 s4, s20  }
0x14: {  	s7 =	simm.s32 $0x0;
	s21 =	sshll.u32 s5, $0x1;
	s5 =	sadd.s32 s22, s3  }
0x15: {  	[timem:s7], [sflag:s23] =	dma.local [hbm:s5], s21  }
0x16: {  	_ =	swait.ge [sflag:s23], s21  }
0x17: {  	s4 =	ssub.s32 $0x0, s21;
	[sflag:s23] =	ssyncset.done $0x0  }
0x18: {  	[sflag:s23] =	ssyncadd.s32 s4;
	_ =	sdelay $0x1  }
0x19: {  	s24 =	simm.s32 $0x1B8B  }
0x1a: {  	_ =	swait.ge [sflag:s24], $0x1  }
0x1b: {  	[sflag:s24] =	ssyncset.done $0x0  }
0x1c: {  	s26 =	simm.s32 $0x1B8E;
	s25 =	sld [smem:$0x3FFE];
	[sflag:s24] =	ssyncadd.s32 $0xFFFFFFFF  }
0x1d: {  	s27 =	simm.s32 $execute0_lowered;
	[smem:$0x3FD2] =	sst s26  }
0x1e: {  	s5 =	sshll.u32 s27, $0x1;
	_ =	strace $0x80000049;
	[dreg:$0x1] =	wrdreg $0xFFFFFFFF  }
0x1f: {  	s28 =	simm.s32 $_size_execute0_lowered;
	s3 =	sadd.s32 s3, s5;
	[dreg:$0x0] =	wrdreg $0x0  }
0x20: {  	s5 =	sshll.u32 s28, $0x1;
	[dreg:$0x2] =	wrdreg s3  }
0x21: {  	[dreg:$0x3] =	wrdreg s5  }
0x22: {  	[dreg:$0x4] =	wrdreg $0xC0  }
0x23: {  	_ =	task [dreg:s7], $0x5FFFF  }
0x24: {  	[dreg:$0x1] =	wrdreg $0xFFFFFFFF  }
0x25: {  	[dreg:$0x0] =	wrdreg $0x60  }
0x26: {  	[dreg:$0x2] =	wrdreg s25  }
0x27: {  	[dreg:$0x3] =	wrdreg s2  }
0x28: {  	[dreg:$0x4] =	wrdreg $0x9  }
0x29: {  	_ =	task.clear_ibuf [dreg:s7], $0x5FFFF;
	_ =	strace $0x90000049  }
0x2a: {  	s29 =	simm.s32 $0x9;
	_ =	strace $0x8000004B  }
0x2b: {  	_ =	swait.ge [sflag:s29], $0x1  }
0x2c: {  	[sflag:s29] =	ssyncadd.s32 $0xFFFFFFFF  }
0x2d: {  	_ =	strace $0x9000004B  }
0x2e: {  	_ =	sfence  }
0x2f: {  	s30 =	sld [smem:$0x0];
	_ =	sdelay $0x2  }
0x30: {  	s31 =	sshll.u32 s1, $0xD;
	s1 =	sshrl.u32 s1, $0x2  }
0x31: {  	s3 =	sand.u32 $0x4000, s31;
	s1 =	sadd.s32 s1, s30  }
0x32: {  	s0 =	sor.u32 s3, s0;
	s1 =	sshll.u32 s1, $0x11  }
0x33: {  	s0 =	sor.u32 s1, s0  }
0x34: {  	s0 =	sadd.s32 $0x8F2B, s0  }
0x35: {  	[sflag:s0] =	ssyncadd.remote.s32 $0x1  }
0x36: {  	_ =	sfence.sel $0xFFFF  }
0x37: {  	[dreg:$0x0] =	wrdreg $0xFFFFFFFF;
	(pc) =	sbr.abs _section_cstart, $3  }
0x38: {  	[dreg:$0x1] =	wrdreg $0xFFFFFFFF  }
0x39: {  	_ =	task.clear_ibuf [dreg:s7], $0x2FFFF;
	_ =	strace $0x9FFFFFFF  }
0x3a: {  	(tm) =	ssettm $0x7FFFFFFF  }
0x3b: {  	_ =	shalt  }
tec
execute0_lowered:
.L_overlay_start_1:
0x0: {  	(tag) =	ssettag $0x1  }
0x1: {  	s0 =	srdreg.scid  }
0x2: {  	s1 =	sshll.u32 s0, $0x4  }
0x3: {  	s0 =	stileid.u32;
	s1 =	sand.u32 $0x10, s1  }
0x4: {  	s1 =	sor.u32 s0, s1  }
0x5: {  	s6 =	rddreg [dreg:$0x0];
	s4 =	simm.s32 $0x1;
	s2 =	sshll.u32 s1, $0x7  }
0x6: {  	s7 =	simm.s32 $0x2;
	s12 =	simm.s32 $0x0;
	s1 =	ssub.s32 $0x1000, s2  }
0x7: {  	s8 =	simm.s32 $0x8000;
	s13 =	simm.s32 $0x0;
	s3 =	sand.u32 $0xF80, s1  }
0x8: {  	s9 =	simm.s32 $0x0;
	s5 =	sshrl.u32 s1, $0xC;
	p0 =	sne.s32 s3, $0x0  }
.Ltmp0:
0x9: {  	s1 =	rddreg [dreg:$0x2];
	s4 =	simm.s32 @!p0 $0x0;
	(pc) =	sbr.rel .LBB1_1-.Ltmp0, $4  }
0xa: {  	s11 =	simm.s32 $0x0;
	s3 =	rddreg [dreg:$0x1];
	s5 =	sadd.s32 s4, s5  }
0xb: {  	_ =	strace $0x8000004A;
	s4 =	simm.s32 $0x1;
	s5 =	smul.u32 $0xC8, s5  }
0xc: {  	s6 =	sadd.s32 $0xA00, s6;
	s10 =	smov.u32 s2;
	[sflag:s4] =	ssyncpa.u1 $0x0  }
0xd: {  	p0 =	por $0x0, $0x0;
	[sflag:s7] =	ssyncpa.u1 $0x0;
	s7 =	sor.u32 $0x1, s5  }
.LBB1_4:
0xe: {  	s16 =	sshll.u32 s13, $0x3;
	s17 =	sand.u32 $0x78, s13  }
0xf: {  	s30 =	sand.u32 $0x7E00, s13;
	s12 =	sshll.u32 s12, $0xF;
	s16 =	sand.u32 $0xC00, s16  }
0x10: {  	[tilespmem:s15+$0x810 ss:$0x81] =	vst.msk $0xffff, v2;
	s31 =	sand.u32 $0x7, s13;
	s16 =	sor.u32 s17, s16;
	s17 =	sadd.s32 s3, s30  }
0x11: {  	[tilespmem:s15+$0x1020 ss:$0x81] =	vst.msk $0xffff, v0;
	s13 =	sshll.u32 s31, $0x12;
	s12 =	sadd.s32 s12, s17;
	s16 =	sshrl.u32 s16, $0x3  }
0x12: {  	[tilespmem:s15+$0x0 ss:$0x81] =	vst.msk $0xffff, v1;
	s13 =	sor.u32 $0x400, s13;
	s12 =	sadd.s32 s16, s12  }
0x13: {  	[hbm4b:s12+s13] =	stream.strided.scatter [tilespmem:s14], [sflag:$0x2], $0x2000, s8, s13, $0x20;
	[tilespmem:$0x8080] =	vst v63  }
.LBB1_5:
0x14: {  	s14 =	sadd.s32 $0x1, s9  }
0x15: {  	s12 =	sadd.s32 $0x1000, s10;
	s16 =	smov.u32 s10;
	p2 =	sgt.s32 s14, $0xC7  }
0x16: {  	s16 =	smov.u32 @p2 s12  }
0x17: {  	s14 =	simm.s32 @p2 $0x0;
	p2 =	sgt.s32 s16, $0xFFF  }
0x18: {  	s16 =	smov.u32 @p2 s2;
	p2 =	sne.s32 s11, s7  }
.Ltmp1:
0x19: {  	p1 =	slt.u32 s11, $0x2;
	(pc) =	sbr.rel @!p2 .LBB1_6-.Ltmp1, $4  }
0x1a: {  	s15 =	simm.s32 @!p1 $0x2  }
0x1b: {  	s13 =	smov.u32 s10;
	p0 =	por !p0, !p0;
	_ =	swait.ge @!p1 [sflag:s15], $0x2000  }
0x1c: {  	s12 =	smov.u32 s9;
	[sflag:s15] =	ssyncset.done @!p1 $0x0;
	s9 =	smov.u32 s14  }
0x1d: {  	s11 =	sadd.s32 $0x1, s11;
	[sflag:s15] =	ssyncadd.s32 @!p1 $0xFFFFE000;
	s10 =	smov.u32 s16  }
.LBB1_1:
0x1e: {  	p1 =	sge.u32 s11, s5  }
0x1f: {  	s14 =	sand.u32 @!p1 $0x1FFFFFF, s9  }
0x20: {  	s15 =	smulhi.u32 @!p1 $0x147AE15, s14;
	_ =	sdelay $0x1  }
0x21: {  	s15 =	smul.u32 @!p1 $0xC8, s15  }
0x22: {  	s16 =	sxor.u32 @!p1 $0xFFFFFFFF, s11;
	s17 =	smul.u32 @!p1 $0xC80, s10  }
0x23: {  	s31 =	sadd.s32 $0xFFFFFFFF, s11;
	s16 =	sshll.u32 @!p1 s16, $0xD;
	s14 =	ssub.s32 @!p1 s14, s15  }
0x24: {  	s15 =	sand.u32 @!p1 $0x2000, s16;
	s16 =	sadd.s32 @!p1 s6, s17;
	s14 =	sshll.u32 @!p1 s14, $0x4  }
0x25: {  	s17 =	simm.s32 @!p1 $0x6400;
	s14 =	sadd.s32 @!p1 s14, s16;
	s16 =	simm.s32 @!p1 $0x40  }
0x26: {  	[tilespmem:s15], [sflag:$0x1] =	stream.strided.gather @!p1 [hbm4b:s14+s16], $0x2000, s17, s16, $0x38;
	[tilespmem:$0x8080] =	vst v63  }
0x27: {  	p1 =	sge.u32 s31, s5  }
.Ltmp2:
0x28: {  	_ = 	snop;
	(pc) =	sbr.rel @p1 .LBB1_5-.Ltmp2, $1  }
0x29: {  	_ =	sdelay $0x3  }
0x2a: {  	s14 =	simm.s32 $0x1  }
0x2b: {  	_ =	swait.ge [sflag:s4], $0x2000;
	s14 =	simm.s32 @!p0 $0x0  }
0x2c: {  	[sflag:s4] =	ssyncset.done $0x0;
	s15 =	sshll.u32 s14, $0xD  }
0x2d: {  	[sflag:s4] =	ssyncadd.s32 $0xFFFFE000;
	s18 =	sor.u32 $0x20, s15  }
0x2e: {  	s14 =	smul.u32 $0x8100, s14;
	v3 =	vld [tilespmem:s18+$0x10]  }
0x2f: {  	s30 =	sand.u32 $0x1, s11;
	v2 =	vld [tilespmem:s18+$0xFFFFFFF0]  }
0x30: {  	s15 =	smul.u32 $0x8100, s30;
	s14 =	sshrl.u32 s14, $0x2;
	v0 =	vld [tilespmem:s18+$0x0]  }
0x31: {  	v1 =	vld [tilespmem:s18+$0xFFFFFFE0];
	s16 =	sor.u32 $0x4000, s14  }
0x32: {  	s31 =	sshrl.u32 s15, $0x2;
	s15 =	sadd.s32 $0x0, s16  }
0x33: {  	s17 =	simm.s32 $0x4;
	s18 =	sadd.s32 $0x40, s18;
	s14 =	sor.u32 $0x4000, s31;
	[tilespmem:s15+$0x1830 ss:$0x81] =	vst.msk $0xffff, v3  }
.LBB1_3:
0x34: {  	v3 =	vld [tilespmem:s18+$0x10];
	p1 =	sne.s32 s17, $0x1FC;
	[tilespmem:s15+$0x810 ss:$0x81] =	vst.msk $0xffff, v2;
	s19 =	smov.u32 s17;
	s17 =	sadd.s32 $0x4, s17  }
.Ltmp3:
0x35: {  	v2 =	vld [tilespmem:s18+$0xFFFFFFF0];
	[tilespmem:s15+$0x1020 ss:$0x81] =	vst.msk $0xffff, v0;
	(pc) =	sbr.rel @p1 .LBB1_3-.Ltmp3, $4  }
0x36: {  	v0 =	vld [tilespmem:s18+$0x0];
	[tilespmem:s15+$0x0 ss:$0x81] =	vst.msk $0xffff, v1  }
0x37: {  	s15 =	sshra.s32 s19, $0x2;
	v1 =	vld [tilespmem:s18+$0xFFFFFFE0]  }
0x38: {  	s15 =	sadd.s32 s15, s16  }
0x39: {  	s18 =	sadd.s32 $0x40, s18;
	[tilespmem:s15+$0x1830 ss:$0x81] =	vst.msk $0xffff, v3  }
.Ltmp4:
0x3a: {  	_ = 	snop;
	(pc) =	sbr.rel .LBB1_4-.Ltmp4, $1  }
0x3b: {  	_ =	sdelay $0x3  }
.LBB1_6:
0x3c: {  	_ =	sfence.sel $0x180000  }
0x3d: {  	s2 =	simm.s32 $0x1;
	[bflag:$0x0] =	sbarrier.arrive $0xFFFF  }
0x3e: {  	s31 =	simm.s32 $0x2;
	[sflag:s2] =	ssyncpa.u1 $0x1  }
0x3f: {  	[sflag:s31] =	ssyncpa.u1 $0x1  }
0x40: {  	p0 =	sne.s32 s0, $0x0;
	_ =	strace $0x9000004A  }
0x41: {  	s0 =	sadd.s32 @!p0 $0x100000, s1;
	[bflag:$0x2] =	sbarrier.arrive $0xFFFF  }
0x42: {  	[sflag:s0] =	ssyncadd.tile.s32 @!p0 $0x1;
	_ =	shalt  }
.Lfunc_end1:
_tile_overlayer_lowered:
.L_overlay_start_2:
0x43: {  	(tag) =	ssettag $0x2  }
0x44: {  	s0 =	rddreg [dreg:$0x0];
	s2 =	stileid.u32  }
0x45: {  	s1 =	rddreg [dreg:$0x1];
	p0 =	sne.s32 s2, $0x0  }
0x46: {  	s3 =	rddreg [dreg:$0x2];
	[bflag:$0x3] =	sbarrier.arrive $0xFFFF;
	s2 =	simm.s32 @!p0 $0x1C01  }
0x47: {  	[timem:s3], [sflag:s2] =	dma.local @!p0 [hbm:s0], s1  }
0x48: {  	s0 =	simm.s32 @!p0 $0x1  }
0x49: {  	_ =	swait.ge @!p0 [sflag:s0], s1  }
0x4a: {  	s1 =	ssub.s32 @!p0 $0x0, s1;
	[sflag:s0] =	ssyncset.done @!p0 $0x0  }
0x4b: {  	[sflag:s0] =	ssyncadd.s32 @!p0 s1  }
0x4c: {  	[bflag:$0x3] =	sbarrier.arrive $0xFFFF  }
0x4d: {  	_ =	shalt  }

</sc_bundles>
